<compile_context>
chip_gen: v7x
topology: tpu7x:2x2x1
jax: 0.10.2.dev20260603
libtpu: 0.0.44.dev20260713+nightly
codegen_flags: <defaults>
</compile_context>

<pallas_src>
import functools

import jax
import jax.numpy as jnp
from jax import lax
from jax.experimental import pallas as pl
from jax.experimental.pallas import tpu as pltpu
from jax.experimental.pallas import tpu_sc as plsc

_TAU = 1.0
_C = 14
_B = 4
_P = 512 * 512
_BLK = 8192

_NSUB = 16
_BPC = _B // 2
_PER = (_BPC * _P) // _NSUB
_CHUNK = 16384
_NCH = _PER // _CHUNK
_VECS = _CHUNK // 16
_UNROLL = 8


_ROWS = 128


def _kl_body(s_ref, t_ref, g_ref, out_ref, gout_ref):
    s = s_ref[0]
    t = t_ref[0]
    ms = jnp.max(s, axis=0)
    mt = jnp.max(t, axis=0)
    es = jnp.exp(s - ms[None])
    et = jnp.exp(t - mt[None])
    zs = jnp.sum(es, axis=0)
    zt = jnp.sum(et, axis=0)
    klp = jnp.sum(et * (t - s), axis=0) / zt \
        + (ms - mt) + jnp.log(zs) - jnp.log(zt)
    out_ref[...] = klp.reshape(_ROWS * 4, 128)
    gout_ref[...] = g_ref[0, 0].reshape(_ROWS * 4, 128)


def _seg_body(kl_hbm, gt_hbm, out_hbm, klv, gtv, acc2, cnt2, svb, cvb,
              outv, sh_sums, sh_cnts, sem0, sem1):
    cid = lax.axis_index("c")
    sid = lax.axis_index("s")
    base = cid * (_BPC * _P) + sid * _PER
    lane = lax.iota(jnp.int32, 16)
    zero16 = jnp.zeros((16,), jnp.float32)
    ones16 = jnp.ones((16,), jnp.float32)

    lane16 = lane * 16
    for r in range(32):
        acc2[pl.ds(r * 16, 16)] = zero16
        cnt2[pl.ds(r * 16, 16)] = zero16

    sems = (sem0, sem1)

    def mk(ch, buf):
        start = base + ch * _CHUNK
        return (
            pltpu.make_async_copy(kl_hbm.at[pl.ds(start, _CHUNK)],
                                  klv.at[buf], sems[buf]),
            pltpu.make_async_copy(gt_hbm.at[pl.ds(start, _CHUNK)],
                                  gtv.at[buf], sems[buf]),
        )

    pend = {0: mk(0, 0)}
    pend[0][0].start()
    pend[0][1].start()
    for ch in range(_NCH):
        buf = ch % 2
        if ch + 1 < _NCH:
            pend[ch + 1] = mk(ch + 1, (ch + 1) % 2)
            pend[ch + 1][0].start()
            pend[ch + 1][1].start()
        pend[ch][0].wait()
        pend[ch][1].wait()

        def body(i, carry):
            off = i * (16 * _UNROLL)
            for u in range(_UNROLL):
                kv = klv[buf, pl.ds(off + u * 16, 16)]
                gv = gtv[buf, pl.ds(off + u * 16, 16)]
                tbl = (u % 2) * 256
                plsc.addupdate_scatter(acc2, [tbl + lane16 + gv], kv)
                plsc.addupdate_scatter(cnt2, [tbl + lane16 + gv], ones16)
            return carry

        lax.fori_loop(0, _VECS // _UNROLL, body, 0)

    sv = acc2[pl.ds(0, 16)]
    cv = cnt2[pl.ds(0, 16)]
    for r in range(1, 32):
        sv = sv + acc2[pl.ds(r * 16, 16)]
        cv = cv + cnt2[pl.ds(r * 16, 16)]
    svb[...] = sv
    cvb[...] = cv

    pltpu.sync_copy(svb, sh_sums.at[pl.ds(sid * 16, 16)])
    pltpu.sync_copy(cvb, sh_cnts.at[pl.ds(sid * 16, 16)])
    plsc.subcore_barrier()

    @pl.when(sid == 0)
    def _():
        pltpu.sync_copy(sh_sums, acc2.at[pl.ds(0, _NSUB * 16)])
        pltpu.sync_copy(sh_cnts, cnt2.at[pl.ds(0, _NSUB * 16)])
        cls_mask = (lane >= 1) & (lane < _C)
        spb = _NSUB // _BPC
        total = jnp.float32(0.0)
        for bb in range(_BPC):
            s = acc2[pl.ds(spb * bb * 16, 16)]
            c = cnt2[pl.ds(spb * bb * 16, 16)]
            for r in range(1, spb):
                s = s + acc2[pl.ds((spb * bb + r) * 16, 16)]
                c = c + cnt2[pl.ds((spb * bb + r) * 16, 16)]
            per = jnp.where(c > 0.0, s / (_C * jnp.maximum(c, 1.0)), 0.0)
            per = jnp.where(cls_mask, per, 0.0)
            total = total + jnp.sum(per)
        outv[...] = ones16 * total
        pltpu.sync_copy(outv, out_hbm.at[pl.ds(cid * 16, 16)])


@functools.cache
def _seg_reduce():
    @functools.partial(
        pl.kernel,
        out_type=jax.ShapeDtypeStruct((32,), jnp.float32),
        mesh=plsc.VectorSubcoreMesh(core_axis_name="c", subcore_axis_name="s",
                                    num_cores=2),
        compiler_params=pltpu.CompilerParams(needs_layout_passes=False),
        scratch_types=[
            pltpu.VMEM((2, _CHUNK), jnp.float32),
            pltpu.VMEM((2, _CHUNK), jnp.int32),
            pltpu.VMEM((512,), jnp.float32),
            pltpu.VMEM((512,), jnp.float32),
            pltpu.VMEM((16,), jnp.float32),
            pltpu.VMEM((16,), jnp.float32),
            pltpu.VMEM((16,), jnp.float32),
            pltpu.VMEM_SHARED((_NSUB * 16,), jnp.float32),
            pltpu.VMEM_SHARED((_NSUB * 16,), jnp.float32),
            pltpu.SemaphoreType.DMA,
            pltpu.SemaphoreType.DMA,
        ],
    )
    def seg(kl_hbm, gt_hbm, out_hbm, *scratch):
        _seg_body(kl_hbm, gt_hbm, out_hbm, *scratch)

    return seg


def kernel(preds_S, preds_T, gt_labels):
    nj = 512 // _ROWS
    rows = _ROWS * 4
    kl_pix, gt_lin = pl.pallas_call(
        _kl_body,
        grid=(_B, nj),
        in_specs=[
            pl.BlockSpec((1, _C, _ROWS, 512), lambda b, j: (b, 0, j, 0)),
            pl.BlockSpec((1, _C, _ROWS, 512), lambda b, j: (b, 0, j, 0)),
            pl.BlockSpec((1, 1, _ROWS, 512), lambda b, j: (b, 0, j, 0)),
        ],
        out_specs=[
            pl.BlockSpec((rows, 128), lambda b, j: (b * nj + j, 0)),
            pl.BlockSpec((rows, 128), lambda b, j: (b * nj + j, 0)),
        ],
        out_shape=[
            jax.ShapeDtypeStruct((_B * _P // 128, 128), jnp.float32),
            jax.ShapeDtypeStruct((_B * _P // 128, 128), jnp.int32),
        ],
    )(preds_S, preds_T, gt_labels)

    out_vec = _seg_reduce()(kl_pix.reshape(_B * _P), gt_lin.reshape(_B * _P))
    return (out_vec[0] + out_vec[16]) * (_TAU * _TAU)

# --- scband reference (transcript-rebuilt; emitter-appended) ---
"""Pipeline reference for scband-body-kdv8-24979529793880 (READ-ONLY COPY).

The authoritative reference and input builder live on the scoring server;
editing this copy changes nothing except your own understanding.
"""

import jax, jax.numpy as jnp
import numpy as np

TAU = 1.0
NUM_CLASSES = 14
LOSS_WEIGHT = 1.0


def setup_inputs(seed: int = 0) -> dict:
    key = jax.random.key(seed)
    k1, k2, k3 = jax.random.split(key, 3)
    preds_S = jax.random.normal(k1, (4, 14, 512, 512), dtype=jnp.float32)
    preds_T = jax.random.normal(k2, (4, 14, 512, 512), dtype=jnp.float32)
    gt_labels = jax.random.randint(k3, (4, 1, 512, 512), 0, 14, dtype=jnp.int32)
    return {"preds_S": preds_S, "preds_T": preds_T, "gt_labels": gt_labels}


def reference(preds_S, preds_T, gt_labels):
    # Faithful translation of BodyKDV8.forward.
    # Key observation: log_softmax/softmax are taken over the class dim (dim=0 of the
    # [C, n_sel] slice), which is per-pixel, so selecting mask pixels then softmaxing
    # equals softmaxing all pixels over the class dim and then selecting.
    # F.kl_div(..., reduction='mean') = sum(target*(log(target)-input)) / (C * n_sel).
    B, C = preds_S.shape[0], preds_S.shape[1]
    S = preds_S.reshape(B, C, -1)
    T = preds_T.reshape(B, C, -1)
    P = S.shape[-1]
    gt = gt_labels[:, 0].reshape(B, -1).astype(jnp.int32)
    logS = jax.nn.log_softmax(S / TAU, axis=1)
    Tp = jax.nn.softmax(T / TAU, axis=1)
    kl = Tp * (jnp.log(Tp) - logS)            # pointwise KL terms [B, C, P]
    kl_pix = kl.sum(axis=1)                    # sum over classes per pixel [B, P]
    # segment-sum per (batch, gt-class)
    seg = (gt + jnp.arange(B, dtype=jnp.int32)[:, None] * NUM_CLASSES).reshape(-1)
    sums = jax.ops.segment_sum(kl_pix.reshape(-1), seg, num_segments=B * NUM_CLASSES)
    counts = jax.ops.segment_sum(jnp.ones((B * P,), dtype=jnp.float32), seg, num_segments=B * NUM_CLASSES)
    sums = sums.reshape(B, NUM_CLASSES)
    counts = counts.reshape(B, NUM_CLASSES)
    # F.kl_div mean-reduction: divide by numel = C * n_sel; skip empty classes.
    per = jnp.where(counts > 0, sums / (C * jnp.maximum(counts, 1.0)), 0.0)
    # classes 1..num_classes-1 only (background class 0 is skipped in the loop)
    loss = per[:, 1:].sum() * (TAU ** 2)
    return LOSS_WEIGHT * loss

if __name__ == "__main__":
    import jax
    _d = setup_inputs()
    print(jax.jit(kernel)(*tuple(_d.values())))

</pallas_src>

<mosaic_0001>
#map = affine_map<(d0, d1) -> (0)>
module attributes {stable_mosaic.version = 14 : i64} {
  func.func @seg(%arg0: i32, %arg1: i32, %arg2: memref<1048576xf32, #tpu.memory_space<hbm>>, %arg3: memref<1048576xi32, #tpu.memory_space<hbm>>, %arg4: memref<32xf32, #tpu.memory_space<hbm>>, %arg5: memref<2x16384xf32, #tpu.memory_space<vmem>>, %arg6: memref<2x16384xi32, #tpu.memory_space<vmem>>, %arg7: memref<512xf32, #tpu.memory_space<vmem>>, %arg8: memref<512xf32, #tpu.memory_space<vmem>>, %arg9: memref<16xf32, #tpu.memory_space<vmem>>, %arg10: memref<16xf32, #tpu.memory_space<vmem>>, %arg11: memref<16xf32, #tpu.memory_space<vmem>>, %arg12: memref<256xf32, #tpu.memory_space<vmem_shared>>, %arg13: memref<256xf32, #tpu.memory_space<vmem_shared>>, %arg14: memref<!tpu.dma_semaphore, #tpu.memory_space<semaphore_mem>>, %arg15: memref<!tpu.dma_semaphore, #tpu.memory_space<semaphore_mem>>) attributes {dimension_semantics = [#tpu.dimension_semantics<core_parallel>, #tpu.dimension_semantics<subcore_parallel>], iteration_bounds = array<i64: 2, 16>, scalar_prefetch = 0 : i64, scratch_operands = 11 : i64, tpu.core_type = #tpu.core_type<sc_vector_subcore>, window_params = [{transform_indices = #map}, {transform_indices = #map}, {transform_indices = #map}]} {
    %mul3A = arith.constant 524288 : i32
    %mul3A_0 = arith.muli %arg0, %mul3A : i32
    %mul3A_1 = arith.constant 32768 : i32
    %mul3A_2 = arith.muli %arg1, %mul3A_1 : i32
    %add3A = arith.addi %mul3A_0, %mul3A_2 : i32
    %iota3A = tpu.iota {dimensions = array<i32: 0>} : vector<16xi32>
    %broadcast_in_dim3A = arith.constant 0.000000e+00 : f32
    %broadcast_in_dim3A_3 = vector.broadcast %broadcast_in_dim3A : f32 to vector<16xf32>
    %broadcast_in_dim3A_4 = arith.constant 1.000000e+00 : f32
    %broadcast_in_dim3A_5 = vector.broadcast %broadcast_in_dim3A_4 : f32 to vector<16xf32>
    %mul3A_6 = arith.constant 16 : i32
    %mul3A_7 = vector.broadcast %mul3A_6 : i32 to vector<16xi32>
    %mul3A_8 = arith.muli %iota3A, %mul3A_7 : vector<16xi32>
    %swap3A = arith.constant 0 : index
    %swap3A_9 = tpu.vector_load %arg7[%swap3A] {strides = array<i32>} : memref<512xf32, #tpu.memory_space<vmem>>, vector<16xf32>,
    tpu.vector_store %arg7[%swap3A], %broadcast_in_dim3A_3 {strides = array<i32>} : memref<512xf32, #tpu.memory_space<vmem>>, vector<16xf32>,
    %swap3A_10 = arith.constant 0 : index
    %swap3A_11 = tpu.vector_load %arg8[%swap3A_10] {strides = array<i32>} : memref<512xf32, #tpu.memory_space<vmem>>, vector<16xf32>,
    tpu.vector_store %arg8[%swap3A_10], %broadcast_in_dim3A_3 {strides = array<i32>} : memref<512xf32, #tpu.memory_space<vmem>>, vector<16xf32>,
    %swap3A_12 = arith.constant 16 : index
    %swap3A_13 = tpu.vector_load %arg7[%swap3A_12] {strides = array<i32>} : memref<512xf32, #tpu.memory_space<vmem>>, vector<16xf32>,
    tpu.vector_store %arg7[%swap3A_12], %broadcast_in_dim3A_3 {strides = array<i32>} : memref<512xf32, #tpu.memory_space<vmem>>, vector<16xf32>,
    %swap3A_14 = arith.constant 16 : index
    %swap3A_15 = tpu.vector_load %arg8[%swap3A_14] {strides = array<i32>} : memref<512xf32, #tpu.memory_space<vmem>>, vector<16xf32>,
    tpu.vector_store %arg8[%swap3A_14], %broadcast_in_dim3A_3 {strides = array<i32>} : memref<512xf32, #tpu.memory_space<vmem>>, vector<16xf32>,
    %swap3A_16 = arith.constant 32 : index
    %swap3A_17 = tpu.vector_load %arg7[%swap3A_16] {strides = array<i32>} : memref<512xf32, #tpu.memory_space<vmem>>, vector<16xf32>,
    tpu.vector_store %arg7[%swap3A_16], %broadcast_in_dim3A_3 {strides = array<i32>} : memref<512xf32, #tpu.memory_space<vmem>>, vector<16xf32>,
    %swap3A_18 = arith.constant 32 : index
    %swap3A_19 = tpu.vector_load %arg8[%swap3A_18] {strides = array<i32>} : memref<512xf32, #tpu.memory_space<vmem>>, vector<16xf32>,
    tpu.vector_store %arg8[%swap3A_18], %broadcast_in_dim3A_3 {strides = array<i32>} : memref<512xf32, #tpu.memory_space<vmem>>, vector<16xf32>,
    %swap3A_20 = arith.constant 48 : index
    %swap3A_21 = tpu.vector_load %arg7[%swap3A_20] {strides = array<i32>} : memref<512xf32, #tpu.memory_space<vmem>>, vector<16xf32>,
    tpu.vector_store %arg7[%swap3A_20], %broadcast_in_dim3A_3 {strides = array<i32>} : memref<512xf32, #tpu.memory_space<vmem>>, vector<16xf32>,
    %swap3A_22 = arith.constant 48 : index
    %swap3A_23 = tpu.vector_load %arg8[%swap3A_22] {strides = array<i32>} : memref<512xf32, #tpu.memory_space<vmem>>, vector<16xf32>,
    tpu.vector_store %arg8[%swap3A_22], %broadcast_in_dim3A_3 {strides = array<i32>} : memref<512xf32, #tpu.memory_space<vmem>>, vector<16xf32>,
    %swap3A_24 = arith.constant 64 : index
    %swap3A_25 = tpu.vector_load %arg7[%swap3A_24] {strides = array<i32>} : memref<512xf32, #tpu.memory_space<vmem>>, vector<16xf32>,
    tpu.vector_store %arg7[%swap3A_24], %broadcast_in_dim3A_3 {strides = array<i32>} : memref<512xf32, #tpu.memory_space<vmem>>, vector<16xf32>,
    %swap3A_26 = arith.constant 64 : index
    %swap3A_27 = tpu.vector_load %arg8[%swap3A_26] {strides = array<i32>} : memref<512xf32, #tpu.memory_space<vmem>>, vector<16xf32>,
    tpu.vector_store %arg8[%swap3A_26], %broadcast_in_dim3A_3 {strides = array<i32>} : memref<512xf32, #tpu.memory_space<vmem>>, vector<16xf32>,
    %swap3A_28 = arith.constant 80 : index
    %swap3A_29 = tpu.vector_load %arg7[%swap3A_28] {strides = array<i32>} : memref<512xf32, #tpu.memory_space<vmem>>, vector<16xf32>,
    tpu.vector_store %arg7[%swap3A_28], %broadcast_in_dim3A_3 {strides = array<i32>} : memref<512xf32, #tpu.memory_space<vmem>>, vector<16xf32>,
    %swap3A_30 = arith.constant 80 : index
    %swap3A_31 = tpu.vector_load %arg8[%swap3A_30] {strides = array<i32>} : memref<512xf32, #tpu.memory_space<vmem>>, vector<16xf32>,
    tpu.vector_store %arg8[%swap3A_30], %broadcast_in_dim3A_3 {strides = array<i32>} : memref<512xf32, #tpu.memory_space<vmem>>, vector<16xf32>,
    %swap3A_32 = arith.constant 96 : index
    %swap3A_33 = tpu.vector_load %arg7[%swap3A_32] {strides = array<i32>} : memref<512xf32, #tpu.memory_space<vmem>>, vector<16xf32>,
    tpu.vector_store %arg7[%swap3A_32], %broadcast_in_dim3A_3 {strides = array<i32>} : memref<512xf32, #tpu.memory_space<vmem>>, vector<16xf32>,
    %swap3A_34 = arith.constant 96 : index
    %swap3A_35 = tpu.vector_load %arg8[%swap3A_34] {strides = array<i32>} : memref<512xf32, #tpu.memory_space<vmem>>, vector<16xf32>,
    tpu.vector_store %arg8[%swap3A_34], %broadcast_in_dim3A_3 {strides = array<i32>} : memref<512xf32, #tpu.memory_space<vmem>>, vector<16xf32>,
    %swap3A_36 = arith.constant 112 : index
    %swap3A_37 = tpu.vector_load %arg7[%swap3A_36] {strides = array<i32>} : memref<512xf32, #tpu.memory_space<vmem>>, vector<16xf32>,
    tpu.vector_store %arg7[%swap3A_36], %broadcast_in_dim3A_3 {strides = array<i32>} : memref<512xf32, #tpu.memory_space<vmem>>, vector<16xf32>,
    %swap3A_38 = arith.constant 112 : index
    %swap3A_39 = tpu.vector_load %arg8[%swap3A_38] {strides = array<i32>} : memref<512xf32, #tpu.memory_space<vmem>>, vector<16xf32>,
    tpu.vector_store %arg8[%swap3A_38], %broadcast_in_dim3A_3 {strides = array<i32>} : memref<512xf32, #tpu.memory_space<vmem>>, vector<16xf32>,
    %swap3A_40 = arith.constant 128 : index
    %swap3A_41 = tpu.vector_load %arg7[%swap3A_40] {strides = array<i32>} : memref<512xf32, #tpu.memory_space<vmem>>, vector<16xf32>,
    tpu.vector_store %arg7[%swap3A_40], %broadcast_in_dim3A_3 {strides = array<i32>} : memref<512xf32, #tpu.memory_space<vmem>>, vector<16xf32>,
    %swap3A_42 = arith.constant 128 : index
    %swap3A_43 = tpu.vector_load %arg8[%swap3A_42] {strides = array<i32>} : memref<512xf32, #tpu.memory_space<vmem>>, vector<16xf32>,
    tpu.vector_store %arg8[%swap3A_42], %broadcast_in_dim3A_3 {strides = array<i32>} : memref<512xf32, #tpu.memory_space<vmem>>, vector<16xf32>,
    %swap3A_44 = arith.constant 144 : index
    %swap3A_45 = tpu.vector_load %arg7[%swap3A_44] {strides = array<i32>} : memref<512xf32, #tpu.memory_space<vmem>>, vector<16xf32>,
    tpu.vector_store %arg7[%swap3A_44], %broadcast_in_dim3A_3 {strides = array<i32>} : memref<512xf32, #tpu.memory_space<vmem>>, vector<16xf32>,
    %swap3A_46 = arith.constant 144 : index
    %swap3A_47 = tpu.vector_load %arg8[%swap3A_46] {strides = array<i32>} : memref<512xf32, #tpu.memory_space<vmem>>, vector<16xf32>,
    tpu.vector_store %arg8[%swap3A_46], %broadcast_in_dim3A_3 {strides = array<i32>} : memref<512xf32, #tpu.memory_space<vmem>>, vector<16xf32>,
    %swap3A_48 = arith.constant 160 : index
    %swap3A_49 = tpu.vector_load %arg7[%swap3A_48] {strides = array<i32>} : memref<512xf32, #tpu.memory_space<vmem>>, vector<16xf32>,
    tpu.vector_store %arg7[%swap3A_48], %broadcast_in_dim3A_3 {strides = array<i32>} : memref<512xf32, #tpu.memory_space<vmem>>, vector<16xf32>,
    %swap3A_50 = arith.constant 160 : index
    %swap3A_51 = tpu.vector_load %arg8[%swap3A_50] {strides = array<i32>} : memref<512xf32, #tpu.memory_space<vmem>>, vector<16xf32>,
    tpu.vector_store %arg8[%swap3A_50], %broadcast_in_dim3A_3 {strides = array<i32>} : memref<512xf32, #tpu.memory_space<vmem>>, vector<16xf32>,
    %swap3A_52 = arith.constant 176 : index
    %swap3A_53 = tpu.vector_load %arg7[%swap3A_52] {strides = array<i32>} : memref<512xf32, #tpu.memory_space<vmem>>, vector<16xf32>,
    tpu.vector_store %arg7[%swap3A_52], %broadcast_in_dim3A_3 {strides = array<i32>} : memref<512xf32, #tpu.memory_space<vmem>>, vector<16xf32>,
    %swap3A_54 = arith.constant 176 : index
    %swap3A_55 = tpu.vector_load %arg8[%swap3A_54] {strides = array<i32>} : memref<512xf32, #tpu.memory_space<vmem>>, vector<16xf32>,
    tpu.vector_store %arg8[%swap3A_54], %broadcast_in_dim3A_3 {strides = array<i32>} : memref<512xf32, #tpu.memory_space<vmem>>, vector<16xf32>,
    %swap3A_56 = arith.constant 192 : index
    %swap3A_57 = tpu.vector_load %arg7[%swap3A_56] {strides = array<i32>} : memref<512xf32, #tpu.memory_space<vmem>>, vector<16xf32>,
    tpu.vector_store %arg7[%swap3A_56], %broadcast_in_dim3A_3 {strides = array<i32>} : memref<512xf32, #tpu.memory_space<vmem>>, vector<16xf32>,
    %swap3A_58 = arith.constant 192 : index
    %swap3A_59 = tpu.vector_load %arg8[%swap3A_58] {strides = array<i32>} : memref<512xf32, #tpu.memory_space<vmem>>, vector<16xf32>,
    tpu.vector_store %arg8[%swap3A_58], %broadcast_in_dim3A_3 {strides = array<i32>} : memref<512xf32, #tpu.memory_space<vmem>>, vector<16xf32>,
    %swap3A_60 = arith.constant 208 : index
    %swap3A_61 = tpu.vector_load %arg7[%swap3A_60] {strides = array<i32>} : memref<512xf32, #tpu.memory_space<vmem>>, vector<16xf32>,
    tpu.vector_store %arg7[%swap3A_60], %broadcast_in_dim3A_3 {strides = array<i32>} : memref<512xf32, #tpu.memory_space<vmem>>, vector<16xf32>,
    %swap3A_62 = arith.constant 208 : index
    %swap3A_63 = tpu.vector_load %arg8[%swap3A_62] {strides = array<i32>} : memref<512xf32, #tpu.memory_space<vmem>>, vector<16xf32>,
    tpu.vector_store %arg8[%swap3A_62], %broadcast_in_dim3A_3 {strides = array<i32>} : memref<512xf32, #tpu.memory_space<vmem>>, vector<16xf32>,
    %swap3A_64 = arith.constant 224 : index
    %swap3A_65 = tpu.vector_load %arg7[%swap3A_64] {strides = array<i32>} : memref<512xf32, #tpu.memory_space<vmem>>, vector<16xf32>,
    tpu.vector_store %arg7[%swap3A_64], %broadcast_in_dim3A_3 {strides = array<i32>} : memref<512xf32, #tpu.memory_space<vmem>>, vector<16xf32>,
    %swap3A_66 = arith.constant 224 : index
    %swap3A_67 = tpu.vector_load %arg8[%swap3A_66] {strides = array<i32>} : memref<512xf32, #tpu.memory_space<vmem>>, vector<16xf32>,
    tpu.vector_store %arg8[%swap3A_66], %broadcast_in_dim3A_3 {strides = array<i32>} : memref<512xf32, #tpu.memory_space<vmem>>, vector<16xf32>,
    %swap3A_68 = arith.constant 240 : index
    %swap3A_69 = tpu.vector_load %arg7[%swap3A_68] {strides = array<i32>} : memref<512xf32, #tpu.memory_space<vmem>>, vector<16xf32>,
    tpu.vector_store %arg7[%swap3A_68], %broadcast_in_dim3A_3 {strides = array<i32>} : memref<512xf32, #tpu.memory_space<vmem>>, vector<16xf32>,
    %swap3A_70 = arith.constant 240 : index
    %swap3A_71 = tpu.vector_load %arg8[%swap3A_70] {strides = array<i32>} : memref<512xf32, #tpu.memory_space<vmem>>, vector<16xf32>,
    tpu.vector_store %arg8[%swap3A_70], %broadcast_in_dim3A_3 {strides = array<i32>} : memref<512xf32, #tpu.memory_space<vmem>>, vector<16xf32>,
    %swap3A_72 = arith.constant 256 : index
    %swap3A_73 = tpu.vector_load %arg7[%swap3A_72] {strides = array<i32>} : memref<512xf32, #tpu.memory_space<vmem>>, vector<16xf32>,
    tpu.vector_store %arg7[%swap3A_72], %broadcast_in_dim3A_3 {strides = array<i32>} : memref<512xf32, #tpu.memory_space<vmem>>, vector<16xf32>,
    %swap3A_74 = arith.constant 256 : index
    %swap3A_75 = tpu.vector_load %arg8[%swap3A_74] {strides = array<i32>} : memref<512xf32, #tpu.memory_space<vmem>>, vector<16xf32>,
    tpu.vector_store %arg8[%swap3A_74], %broadcast_in_dim3A_3 {strides = array<i32>} : memref<512xf32, #tpu.memory_space<vmem>>, vector<16xf32>,
    %swap3A_76 = arith.constant 272 : index
    %swap3A_77 = tpu.vector_load %arg7[%swap3A_76] {strides = array<i32>} : memref<512xf32, #tpu.memory_space<vmem>>, vector<16xf32>,
    tpu.vector_store %arg7[%swap3A_76], %broadcast_in_dim3A_3 {strides = array<i32>} : memref<512xf32, #tpu.memory_space<vmem>>, vector<16xf32>,
    %swap3A_78 = arith.constant 272 : index
    %swap3A_79 = tpu.vector_load %arg8[%swap3A_78] {strides = array<i32>} : memref<512xf32, #tpu.memory_space<vmem>>, vector<16xf32>,
    tpu.vector_store %arg8[%swap3A_78], %broadcast_in_dim3A_3 {strides = array<i32>} : memref<512xf32, #tpu.memory_space<vmem>>, vector<16xf32>,
    %swap3A_80 = arith.constant 288 : index
    %swap3A_81 = tpu.vector_load %arg7[%swap3A_80] {strides = array<i32>} : memref<512xf32, #tpu.memory_space<vmem>>, vector<16xf32>,
    tpu.vector_store %arg7[%swap3A_80], %broadcast_in_dim3A_3 {strides = array<i32>} : memref<512xf32, #tpu.memory_space<vmem>>, vector<16xf32>,
    %swap3A_82 = arith.constant 288 : index
    %swap3A_83 = tpu.vector_load %arg8[%swap3A_82] {strides = array<i32>} : memref<512xf32, #tpu.memory_space<vmem>>, vector<16xf32>,
    tpu.vector_store %arg8[%swap3A_82], %broadcast_in_dim3A_3 {strides = array<i32>} : memref<512xf32, #tpu.memory_space<vmem>>, vector<16xf32>,
    %swap3A_84 = arith.constant 304 : index
    %swap3A_85 = tpu.vector_load %arg7[%swap3A_84] {strides = array<i32>} : memref<512xf32, #tpu.memory_space<vmem>>, vector<16xf32>,
    tpu.vector_store %arg7[%swap3A_84], %broadcast_in_dim3A_3 {strides = array<i32>} : memref<512xf32, #tpu.memory_space<vmem>>, vector<16xf32>,
    %swap3A_86 = arith.constant 304 : index
    %swap3A_87 = tpu.vector_load %arg8[%swap3A_86] {strides = array<i32>} : memref<512xf32, #tpu.memory_space<vmem>>, vector<16xf32>,
    tpu.vector_store %arg8[%swap3A_86], %broadcast_in_dim3A_3 {strides = array<i32>} : memref<512xf32, #tpu.memory_space<vmem>>, vector<16xf32>,
    %swap3A_88 = arith.constant 320 : index
    %swap3A_89 = tpu.vector_load %arg7[%swap3A_88] {strides = array<i32>} : memref<512xf32, #tpu.memory_space<vmem>>, vector<16xf32>,
    tpu.vector_store %arg7[%swap3A_88], %broadcast_in_dim3A_3 {strides = array<i32>} : memref<512xf32, #tpu.memory_space<vmem>>, vector<16xf32>,
    %swap3A_90 = arith.constant 320 : index
    %swap3A_91 = tpu.vector_load %arg8[%swap3A_90] {strides = array<i32>} : memref<512xf32, #tpu.memory_space<vmem>>, vector<16xf32>,
    tpu.vector_store %arg8[%swap3A_90], %broadcast_in_dim3A_3 {strides = array<i32>} : memref<512xf32, #tpu.memory_space<vmem>>, vector<16xf32>,
    %swap3A_92 = arith.constant 336 : index
    %swap3A_93 = tpu.vector_load %arg7[%swap3A_92] {strides = array<i32>} : memref<512xf32, #tpu.memory_space<vmem>>, vector<16xf32>,
    tpu.vector_store %arg7[%swap3A_92], %broadcast_in_dim3A_3 {strides = array<i32>} : memref<512xf32, #tpu.memory_space<vmem>>, vector<16xf32>,
    %swap3A_94 = arith.constant 336 : index
    %swap3A_95 = tpu.vector_load %arg8[%swap3A_94] {strides = array<i32>} : memref<512xf32, #tpu.memory_space<vmem>>, vector<16xf32>,
    tpu.vector_store %arg8[%swap3A_94], %broadcast_in_dim3A_3 {strides = array<i32>} : memref<512xf32, #tpu.memory_space<vmem>>, vector<16xf32>,
    %swap3A_96 = arith.constant 352 : index
    %swap3A_97 = tpu.vector_load %arg7[%swap3A_96] {strides = array<i32>} : memref<512xf32, #tpu.memory_space<vmem>>, vector<16xf32>,
    tpu.vector_store %arg7[%swap3A_96], %broadcast_in_dim3A_3 {strides = array<i32>} : memref<512xf32, #tpu.memory_space<vmem>>, vector<16xf32>,
    %swap3A_98 = arith.constant 352 : index
    %swap3A_99 = tpu.vector_load %arg8[%swap3A_98] {strides = array<i32>} : memref<512xf32, #tpu.memory_space<vmem>>, vector<16xf32>,
    tpu.vector_store %arg8[%swap3A_98], %broadcast_in_dim3A_3 {strides = array<i32>} : memref<512xf32, #tpu.memory_space<vmem>>, vector<16xf32>,
    %swap3A_100 = arith.constant 368 : index
    %swap3A_101 = tpu.vector_load %arg7[%swap3A_100] {strides = array<i32>} : memref<512xf32, #tpu.memory_space<vmem>>, vector<16xf32>,
    tpu.vector_store %arg7[%swap3A_100], %broadcast_in_dim3A_3 {strides = array<i32>} : memref<512xf32, #tpu.memory_space<vmem>>, vector<16xf32>,
    %swap3A_102 = arith.constant 368 : index
    %swap3A_103 = tpu.vector_load %arg8[%swap3A_102] {strides = array<i32>} : memref<512xf32, #tpu.memory_space<vmem>>, vector<16xf32>,
    tpu.vector_store %arg8[%swap3A_102], %broadcast_in_dim3A_3 {strides = array<i32>} : memref<512xf32, #tpu.memory_space<vmem>>, vector<16xf32>,
    %swap3A_104 = arith.constant 384 : index
    %swap3A_105 = tpu.vector_load %arg7[%swap3A_104] {strides = array<i32>} : memref<512xf32, #tpu.memory_space<vmem>>, vector<16xf32>,
    tpu.vector_store %arg7[%swap3A_104], %broadcast_in_dim3A_3 {strides = array<i32>} : memref<512xf32, #tpu.memory_space<vmem>>, vector<16xf32>,
    %swap3A_106 = arith.constant 384 : index
    %swap3A_107 = tpu.vector_load %arg8[%swap3A_106] {strides = array<i32>} : memref<512xf32, #tpu.memory_space<vmem>>, vector<16xf32>,
    tpu.vector_store %arg8[%swap3A_106], %broadcast_in_dim3A_3 {strides = array<i32>} : memref<512xf32, #tpu.memory_space<vmem>>, vector<16xf32>,
    %swap3A_108 = arith.constant 400 : index
    %swap3A_109 = tpu.vector_load %arg7[%swap3A_108] {strides = array<i32>} : memref<512xf32, #tpu.memory_space<vmem>>, vector<16xf32>,
    tpu.vector_store %arg7[%swap3A_108], %broadcast_in_dim3A_3 {strides = array<i32>} : memref<512xf32, #tpu.memory_space<vmem>>, vector<16xf32>,
    %swap3A_110 = arith.constant 400 : index
    %swap3A_111 = tpu.vector_load %arg8[%swap3A_110] {strides = array<i32>} : memref<512xf32, #tpu.memory_space<vmem>>, vector<16xf32>,
    tpu.vector_store %arg8[%swap3A_110], %broadcast_in_dim3A_3 {strides = array<i32>} : memref<512xf32, #tpu.memory_space<vmem>>, vector<16xf32>,
    %swap3A_112 = arith.constant 416 : index
    %swap3A_113 = tpu.vector_load %arg7[%swap3A_112] {strides = array<i32>} : memref<512xf32, #tpu.memory_space<vmem>>, vector<16xf32>,
    tpu.vector_store %arg7[%swap3A_112], %broadcast_in_dim3A_3 {strides = array<i32>} : memref<512xf32, #tpu.memory_space<vmem>>, vector<16xf32>,
    %swap3A_114 = arith.constant 416 : index
    %swap3A_115 = tpu.vector_load %arg8[%swap3A_114] {strides = array<i32>} : memref<512xf32, #tpu.memory_space<vmem>>, vector<16xf32>,
    tpu.vector_store %arg8[%swap3A_114], %broadcast_in_dim3A_3 {strides = array<i32>} : memref<512xf32, #tpu.memory_space<vmem>>, vector<16xf32>,
    %swap3A_116 = arith.constant 432 : index
    %swap3A_117 = tpu.vector_load %arg7[%swap3A_116] {strides = array<i32>} : memref<512xf32, #tpu.memory_space<vmem>>, vector<16xf32>,
    tpu.vector_store %arg7[%swap3A_116], %broadcast_in_dim3A_3 {strides = array<i32>} : memref<512xf32, #tpu.memory_space<vmem>>, vector<16xf32>,
    %swap3A_118 = arith.constant 432 : index
    %swap3A_119 = tpu.vector_load %arg8[%swap3A_118] {strides = array<i32>} : memref<512xf32, #tpu.memory_space<vmem>>, vector<16xf32>,
    tpu.vector_store %arg8[%swap3A_118], %broadcast_in_dim3A_3 {strides = array<i32>} : memref<512xf32, #tpu.memory_space<vmem>>, vector<16xf32>,
    %swap3A_120 = arith.constant 448 : index
    %swap3A_121 = tpu.vector_load %arg7[%swap3A_120] {strides = array<i32>} : memref<512xf32, #tpu.memory_space<vmem>>, vector<16xf32>,
    tpu.vector_store %arg7[%swap3A_120], %broadcast_in_dim3A_3 {strides = array<i32>} : memref<512xf32, #tpu.memory_space<vmem>>, vector<16xf32>,
    %swap3A_122 = arith.constant 448 : index
    %swap3A_123 = tpu.vector_load %arg8[%swap3A_122] {strides = array<i32>} : memref<512xf32, #tpu.memory_space<vmem>>, vector<16xf32>,
    tpu.vector_store %arg8[%swap3A_122], %broadcast_in_dim3A_3 {strides = array<i32>} : memref<512xf32, #tpu.memory_space<vmem>>, vector<16xf32>,
    %swap3A_124 = arith.constant 464 : index
    %swap3A_125 = tpu.vector_load %arg7[%swap3A_124] {strides = array<i32>} : memref<512xf32, #tpu.memory_space<vmem>>, vector<16xf32>,
    tpu.vector_store %arg7[%swap3A_124], %broadcast_in_dim3A_3 {strides = array<i32>} : memref<512xf32, #tpu.memory_space<vmem>>, vector<16xf32>,
    %swap3A_126 = arith.constant 464 : index
    %swap3A_127 = tpu.vector_load %arg8[%swap3A_126] {strides = array<i32>} : memref<512xf32, #tpu.memory_space<vmem>>, vector<16xf32>,
    tpu.vector_store %arg8[%swap3A_126], %broadcast_in_dim3A_3 {strides = array<i32>} : memref<512xf32, #tpu.memory_space<vmem>>, vector<16xf32>,
    %swap3A_128 = arith.constant 480 : index
    %swap3A_129 = tpu.vector_load %arg7[%swap3A_128] {strides = array<i32>} : memref<512xf32, #tpu.memory_space<vmem>>, vector<16xf32>,
    tpu.vector_store %arg7[%swap3A_128], %broadcast_in_dim3A_3 {strides = array<i32>} : memref<512xf32, #tpu.memory_space<vmem>>, vector<16xf32>,
    %swap3A_130 = arith.constant 480 : index
    %swap3A_131 = tpu.vector_load %arg8[%swap3A_130] {strides = array<i32>} : memref<512xf32, #tpu.memory_space<vmem>>, vector<16xf32>,
    tpu.vector_store %arg8[%swap3A_130], %broadcast_in_dim3A_3 {strides = array<i32>} : memref<512xf32, #tpu.memory_space<vmem>>, vector<16xf32>,
    %swap3A_132 = arith.constant 496 : index
    %swap3A_133 = tpu.vector_load %arg7[%swap3A_132] {strides = array<i32>} : memref<512xf32, #tpu.memory_space<vmem>>, vector<16xf32>,
    tpu.vector_store %arg7[%swap3A_132], %broadcast_in_dim3A_3 {strides = array<i32>} : memref<512xf32, #tpu.memory_space<vmem>>, vector<16xf32>,
    %swap3A_134 = arith.constant 496 : index
    %swap3A_135 = tpu.vector_load %arg8[%swap3A_134] {strides = array<i32>} : memref<512xf32, #tpu.memory_space<vmem>>, vector<16xf32>,
    tpu.vector_store %arg8[%swap3A_134], %broadcast_in_dim3A_3 {strides = array<i32>} : memref<512xf32, #tpu.memory_space<vmem>>, vector<16xf32>,
    %add3A_136 = arith.constant 0 : i32
    %add3A_137 = arith.addi %add3A, %add3A_136 : i32
    %dma_start3A = arith.constant 0 : i32
    %dma_start3A_138 = arith.constant 0 : i32
    %dma_start3A_139 = tpu.memref_slice %arg5[%dma_start3A, %dma_start3A_138] : memref<2x16384xf32, #tpu.memory_space<vmem>> -> memref<1x16384xf32, #tpu.memory_space<vmem>>
    %dma_start3A_140 = tpu.memref_squeeze %dma_start3A_139 : memref<1x16384xf32, #tpu.memory_space<vmem>> -> memref<16384xf32, #tpu.memory_space<vmem>>
    %dma_start3A_141 = tpu.memref_slice %arg2[%add3A_137] : memref<1048576xf32, #tpu.memory_space<hbm>> -> memref<16384xf32, #tpu.memory_space<hbm>>
    %dma_start3A_142 = arith.constant 0 : i32
    %dma_start3A_143 = tpu.memref_slice %arg5[%dma_start3A, %dma_start3A_142] : memref<2x16384xf32, #tpu.memory_space<vmem>> -> memref<1x16384xf32, #tpu.memory_space<vmem>>
    %dma_start3A_144 = tpu.memref_squeeze %dma_start3A_143 : memref<1x16384xf32, #tpu.memory_space<vmem>> -> memref<16384xf32, #tpu.memory_space<vmem>>
    %dma_start3A_145 = tpu.memref_slice %arg2[%add3A_137] : memref<1048576xf32, #tpu.memory_space<hbm>> -> memref<16384xf32, #tpu.memory_space<hbm>>
    tpu.enqueue_dma source(%dma_start3A_145 : memref<16384xf32, #tpu.memory_space<hbm>>) target(%dma_start3A_144 : memref<16384xf32, #tpu.memory_space<vmem>>) target_semaphore(%arg14 : memref<!tpu.dma_semaphore, #tpu.memory_space<semaphore_mem>>)
    %dma_start3A_146 = arith.constant 0 : i32
    %dma_start3A_147 = arith.constant 0 : i32
    %dma_start3A_148 = tpu.memref_slice %arg6[%dma_start3A_146, %dma_start3A_147] : memref<2x16384xi32, #tpu.memory_space<vmem>> -> memref<1x16384xi32, #tpu.memory_space<vmem>>
    %dma_start3A_149 = tpu.memref_squeeze %dma_start3A_148 : memref<1x16384xi32, #tpu.memory_space<vmem>> -> memref<16384xi32, #tpu.memory_space<vmem>>
    %dma_start3A_150 = tpu.memref_slice %arg3[%add3A_137] : memref<1048576xi32, #tpu.memory_space<hbm>> -> memref<16384xi32, #tpu.memory_space<hbm>>
    %dma_start3A_151 = arith.constant 0 : i32
    %dma_start3A_152 = tpu.memref_slice %arg6[%dma_start3A_146, %dma_start3A_151] : memref<2x16384xi32, #tpu.memory_space<vmem>> -> memref<1x16384xi32, #tpu.memory_space<vmem>>
    %dma_start3A_153 = tpu.memref_squeeze %dma_start3A_152 : memref<1x16384xi32, #tpu.memory_space<vmem>> -> memref<16384xi32, #tpu.memory_space<vmem>>
    %dma_start3A_154 = tpu.memref_slice %arg3[%add3A_137] : memref<1048576xi32, #tpu.memory_space<hbm>> -> memref<16384xi32, #tpu.memory_space<hbm>>
    tpu.enqueue_dma source(%dma_start3A_154 : memref<16384xi32, #tpu.memory_space<hbm>>) target(%dma_start3A_153 : memref<16384xi32, #tpu.memory_space<vmem>>) target_semaphore(%arg14 : memref<!tpu.dma_semaphore, #tpu.memory_space<semaphore_mem>>)
    %add3A_155 = arith.constant 16384 : i32
    %add3A_156 = arith.addi %add3A, %add3A_155 : i32
    %dma_start3A_157 = arith.constant 1 : i32
    %dma_start3A_158 = arith.constant 0 : i32
    %dma_start3A_159 = tpu.memref_slice %arg5[%dma_start3A_157, %dma_start3A_158] : memref<2x16384xf32, #tpu.memory_space<vmem>> -> memref<1x16384xf32, #tpu.memory_space<vmem>>
    %dma_start3A_160 = tpu.memref_squeeze %dma_start3A_159 : memref<1x16384xf32, #tpu.memory_space<vmem>> -> memref<16384xf32, #tpu.memory_space<vmem>>
    %dma_start3A_161 = tpu.memref_slice %arg2[%add3A_156] : memref<1048576xf32, #tpu.memory_space<hbm>> -> memref<16384xf32, #tpu.memory_space<hbm>>
    %dma_start3A_162 = arith.constant 0 : i32
    %dma_start3A_163 = tpu.memref_slice %arg5[%dma_start3A_157, %dma_start3A_162] : memref<2x16384xf32, #tpu.memory_space<vmem>> -> memref<1x16384xf32, #tpu.memory_space<vmem>>
    %dma_start3A_164 = tpu.memref_squeeze %dma_start3A_163 : memref<1x16384xf32, #tpu.memory_space<vmem>> -> memref<16384xf32, #tpu.memory_space<vmem>>
    %dma_start3A_165 = tpu.memref_slice %arg2[%add3A_156] : memref<1048576xf32, #tpu.memory_space<hbm>> -> memref<16384xf32, #tpu.memory_space<hbm>>
    tpu.enqueue_dma source(%dma_start3A_165 : memref<16384xf32, #tpu.memory_space<hbm>>) target(%dma_start3A_164 : memref<16384xf32, #tpu.memory_space<vmem>>) target_semaphore(%arg15 : memref<!tpu.dma_semaphore, #tpu.memory_space<semaphore_mem>>)
    %dma_start3A_166 = arith.constant 1 : i32
    %dma_start3A_167 = arith.constant 0 : i32
    %dma_start3A_168 = tpu.memref_slice %arg6[%dma_start3A_166, %dma_start3A_167] : memref<2x16384xi32, #tpu.memory_space<vmem>> -> memref<1x16384xi32, #tpu.memory_space<vmem>>
    %dma_start3A_169 = tpu.memref_squeeze %dma_start3A_168 : memref<1x16384xi32, #tpu.memory_space<vmem>> -> memref<16384xi32, #tpu.memory_space<vmem>>
    %dma_start3A_170 = tpu.memref_slice %arg3[%add3A_156] : memref<1048576xi32, #tpu.memory_space<hbm>> -> memref<16384xi32, #tpu.memory_space<hbm>>
    %dma_start3A_171 = arith.constant 0 : i32
    %dma_start3A_172 = tpu.memref_slice %arg6[%dma_start3A_166, %dma_start3A_171] : memref<2x16384xi32, #tpu.memory_space<vmem>> -> memref<1x16384xi32, #tpu.memory_space<vmem>>
    %dma_start3A_173 = tpu.memref_squeeze %dma_start3A_172 : memref<1x16384xi32, #tpu.memory_space<vmem>> -> memref<16384xi32, #tpu.memory_space<vmem>>
    %dma_start3A_174 = tpu.memref_slice %arg3[%add3A_156] : memref<1048576xi32, #tpu.memory_space<hbm>> -> memref<16384xi32, #tpu.memory_space<hbm>>
    tpu.enqueue_dma source(%dma_start3A_174 : memref<16384xi32, #tpu.memory_space<hbm>>) target(%dma_start3A_173 : memref<16384xi32, #tpu.memory_space<vmem>>) target_semaphore(%arg15 : memref<!tpu.dma_semaphore, #tpu.memory_space<semaphore_mem>>)
    %dma_wait3A = arith.constant 0 : i32
    %dma_wait3A_175 = arith.constant 0 : i32
    %dma_wait3A_176 = tpu.memref_slice %arg5[%dma_wait3A, %dma_wait3A_175] : memref<2x16384xf32, #tpu.memory_space<vmem>> -> memref<1x16384xf32, #tpu.memory_space<vmem>>
    %dma_wait3A_177 = tpu.memref_squeeze %dma_wait3A_176 : memref<1x16384xf32, #tpu.memory_space<vmem>> -> memref<16384xf32, #tpu.memory_space<vmem>>
    %dma_wait3A_178 = tpu.memref_slice %arg2[%add3A_137] : memref<1048576xf32, #tpu.memory_space<hbm>> -> memref<16384xf32, #tpu.memory_space<hbm>>
    %dma_wait3A_179 = arith.constant 0 : i32
    %dma_wait3A_180 = tpu.memref_slice %arg5[%dma_wait3A, %dma_wait3A_179] : memref<2x16384xf32, #tpu.memory_space<vmem>> -> memref<1x16384xf32, #tpu.memory_space<vmem>>
    %dma_wait3A_181 = tpu.memref_squeeze %dma_wait3A_180 : memref<1x16384xf32, #tpu.memory_space<vmem>> -> memref<16384xf32, #tpu.memory_space<vmem>>
    %dma_wait3A_182 = tpu.memref_slice %arg2[%add3A_137] : memref<1048576xf32, #tpu.memory_space<hbm>> -> memref<16384xf32, #tpu.memory_space<hbm>>
    tpu.wait_dma2 semaphore(%arg14 : memref<!tpu.dma_semaphore, #tpu.memory_space<semaphore_mem>>) src(%dma_wait3A_182 : memref<16384xf32, #tpu.memory_space<hbm>>) dst(%dma_wait3A_181 : memref<16384xf32, #tpu.memory_space<vmem>>)
    %dma_wait3A_183 = arith.constant 0 : i32
    %dma_wait3A_184 = arith.constant 0 : i32
    %dma_wait3A_185 = tpu.memref_slice %arg6[%dma_wait3A_183, %dma_wait3A_184] : memref<2x16384xi32, #tpu.memory_space<vmem>> -> memref<1x16384xi32, #tpu.memory_space<vmem>>
    %dma_wait3A_186 = tpu.memref_squeeze %dma_wait3A_185 : memref<1x16384xi32, #tpu.memory_space<vmem>> -> memref<16384xi32, #tpu.memory_space<vmem>>
    %dma_wait3A_187 = tpu.memref_slice %arg3[%add3A_137] : memref<1048576xi32, #tpu.memory_space<hbm>> -> memref<16384xi32, #tpu.memory_space<hbm>>
    %dma_wait3A_188 = arith.constant 0 : i32
    %dma_wait3A_189 = tpu.memref_slice %arg6[%dma_wait3A_183, %dma_wait3A_188] : memref<2x16384xi32, #tpu.memory_space<vmem>> -> memref<1x16384xi32, #tpu.memory_space<vmem>>
    %dma_wait3A_190 = tpu.memref_squeeze %dma_wait3A_189 : memref<1x16384xi32, #tpu.memory_space<vmem>> -> memref<16384xi32, #tpu.memory_space<vmem>>
    %dma_wait3A_191 = tpu.memref_slice %arg3[%add3A_137] : memref<1048576xi32, #tpu.memory_space<hbm>> -> memref<16384xi32, #tpu.memory_space<hbm>>
    tpu.wait_dma2 semaphore(%arg14 : memref<!tpu.dma_semaphore, #tpu.memory_space<semaphore_mem>>) src(%dma_wait3A_191 : memref<16384xi32, #tpu.memory_space<hbm>>) dst(%dma_wait3A_190 : memref<16384xi32, #tpu.memory_space<vmem>>)
    %scan3A = arith.constant 0 : i32
    %scan3A_192 = arith.constant 0 : i32
    %scan3A_193 = arith.constant 128 : i32
    %scan3A_194 = arith.addi %scan3A_192, %scan3A_193 : i32
    %scan3A_195 = arith.constant 1 : i32
    scf.for %scan3A_420 = %scan3A_192 to %scan3A_194 step %scan3A_195  : i32 {
      %mul3A_421 = arith.constant 128 : i32
      %mul3A_422 = arith.muli %scan3A_420, %mul3A_421 : i32
      %add3A_423 = arith.constant 0 : i32
      %add3A_424 = arith.addi %mul3A_422, %add3A_423 : i32
      %get3A_425 = arith.constant 0 : i32
      %get3A_426 = arith.index_cast %get3A_425 : i32 to index
      %get3A_427 = arith.index_cast %add3A_424 : i32 to index
      %get3A_428 = tpu.vector_load %arg5[%get3A_426, %get3A_427] {strides = array<i32>} : memref<2x16384xf32, #tpu.memory_space<vmem>>, vector<16xf32>,
      %add3A_429 = arith.constant 0 : i32
      %add3A_430 = arith.addi %mul3A_422, %add3A_429 : i32
      %get3A_431 = arith.constant 0 : i32
      %get3A_432 = arith.index_cast %get3A_431 : i32 to index
      %get3A_433 = arith.index_cast %add3A_430 : i32 to index
      %get3A_434 = tpu.vector_load %arg6[%get3A_432, %get3A_433] {strides = array<i32>} : memref<2x16384xi32, #tpu.memory_space<vmem>>, vector<16xi32>,
      %add3A_435 = arith.constant 0 : i32
      %add3A_436 = vector.broadcast %add3A_435 : i32 to vector<16xi32>
      %add3A_437 = arith.addi %add3A_436, %mul3A_8 : vector<16xi32>
      %add3A_438 = arith.addi %add3A_437, %get3A_434 : vector<16xi32>
      tpu.vector_store_idx %arg7[%add3A_438], %get3A_428 {add = true} : memref<512xf32, #tpu.memory_space<vmem>>[vector<16xi32>], vector<16xf32>,
      %add3A_439 = arith.constant 0 : i32
      %add3A_440 = vector.broadcast %add3A_439 : i32 to vector<16xi32>
      %add3A_441 = arith.addi %add3A_440, %mul3A_8 : vector<16xi32>
      %add3A_442 = arith.addi %add3A_441, %get3A_434 : vector<16xi32>
      tpu.vector_store_idx %arg8[%add3A_442], %broadcast_in_dim3A_5 {add = true} : memref<512xf32, #tpu.memory_space<vmem>>[vector<16xi32>], vector<16xf32>,
      %add3A_443 = arith.constant 16 : i32
      %add3A_444 = arith.addi %mul3A_422, %add3A_443 : i32
      %get3A_445 = arith.constant 0 : i32
      %get3A_446 = arith.index_cast %get3A_445 : i32 to index
      %get3A_447 = arith.index_cast %add3A_444 : i32 to index
      %get3A_448 = tpu.vector_load %arg5[%get3A_446, %get3A_447] {strides = array<i32>} : memref<2x16384xf32, #tpu.memory_space<vmem>>, vector<16xf32>,
      %add3A_449 = arith.constant 16 : i32
      %add3A_450 = arith.addi %mul3A_422, %add3A_449 : i32
      %get3A_451 = arith.constant 0 : i32
      %get3A_452 = arith.index_cast %get3A_451 : i32 to index
      %get3A_453 = arith.index_cast %add3A_450 : i32 to index
      %get3A_454 = tpu.vector_load %arg6[%get3A_452, %get3A_453] {strides = array<i32>} : memref<2x16384xi32, #tpu.memory_space<vmem>>, vector<16xi32>,
      %add3A_455 = arith.constant 256 : i32
      %add3A_456 = vector.broadcast %add3A_455 : i32 to vector<16xi32>
      %add3A_457 = arith.addi %add3A_456, %mul3A_8 : vector<16xi32>
      %add3A_458 = arith.addi %add3A_457, %get3A_454 : vector<16xi32>
      tpu.vector_store_idx %arg7[%add3A_458], %get3A_448 {add = true} : memref<512xf32, #tpu.memory_space<vmem>>[vector<16xi32>], vector<16xf32>,
      %add3A_459 = arith.constant 256 : i32
      %add3A_460 = vector.broadcast %add3A_459 : i32 to vector<16xi32>
      %add3A_461 = arith.addi %add3A_460, %mul3A_8 : vector<16xi32>
      %add3A_462 = arith.addi %add3A_461, %get3A_454 : vector<16xi32>
      tpu.vector_store_idx %arg8[%add3A_462], %broadcast_in_dim3A_5 {add = true} : memref<512xf32, #tpu.memory_space<vmem>>[vector<16xi32>], vector<16xf32>,
      %add3A_463 = arith.constant 32 : i32
      %add3A_464 = arith.addi %mul3A_422, %add3A_463 : i32
      %get3A_465 = arith.constant 0 : i32
      %get3A_466 = arith.index_cast %get3A_465 : i32 to index
      %get3A_467 = arith.index_cast %add3A_464 : i32 to index
      %get3A_468 = tpu.vector_load %arg5[%get3A_466, %get3A_467] {strides = array<i32>} : memref<2x16384xf32, #tpu.memory_space<vmem>>, vector<16xf32>,
      %add3A_469 = arith.constant 32 : i32
      %add3A_470 = arith.addi %mul3A_422, %add3A_469 : i32
      %get3A_471 = arith.constant 0 : i32
      %get3A_472 = arith.index_cast %get3A_471 : i32 to index
      %get3A_473 = arith.index_cast %add3A_470 : i32 to index
      %get3A_474 = tpu.vector_load %arg6[%get3A_472, %get3A_473] {strides = array<i32>} : memref<2x16384xi32, #tpu.memory_space<vmem>>, vector<16xi32>,
      %add3A_475 = arith.constant 0 : i32
      %add3A_476 = vector.broadcast %add3A_475 : i32 to vector<16xi32>
      %add3A_477 = arith.addi %add3A_476, %mul3A_8 : vector<16xi32>
      %add3A_478 = arith.addi %add3A_477, %get3A_474 : vector<16xi32>
      tpu.vector_store_idx %arg7[%add3A_478], %get3A_468 {add = true} : memref<512xf32, #tpu.memory_space<vmem>>[vector<16xi32>], vector<16xf32>,
      %add3A_479 = arith.constant 0 : i32
      %add3A_480 = vector.broadcast %add3A_479 : i32 to vector<16xi32>
      %add3A_481 = arith.addi %add3A_480, %mul3A_8 : vector<16xi32>
      %add3A_482 = arith.addi %add3A_481, %get3A_474 : vector<16xi32>
      tpu.vector_store_idx %arg8[%add3A_482], %broadcast_in_dim3A_5 {add = true} : memref<512xf32, #tpu.memory_space<vmem>>[vector<16xi32>], vector<16xf32>,
      %add3A_483 = arith.constant 48 : i32
      %add3A_484 = arith.addi %mul3A_422, %add3A_483 : i32
      %get3A_485 = arith.constant 0 : i32
      %get3A_486 = arith.index_cast %get3A_485 : i32 to index
      %get3A_487 = arith.index_cast %add3A_484 : i32 to index
      %get3A_488 = tpu.vector_load %arg5[%get3A_486, %get3A_487] {strides = array<i32>} : memref<2x16384xf32, #tpu.memory_space<vmem>>, vector<16xf32>,
      %add3A_489 = arith.constant 48 : i32
      %add3A_490 = arith.addi %mul3A_422, %add3A_489 : i32
      %get3A_491 = arith.constant 0 : i32
      %get3A_492 = arith.index_cast %get3A_491 : i32 to index
      %get3A_493 = arith.index_cast %add3A_490 : i32 to index
      %get3A_494 = tpu.vector_load %arg6[%get3A_492, %get3A_493] {strides = array<i32>} : memref<2x16384xi32, #tpu.memory_space<vmem>>, vector<16xi32>,
      %add3A_495 = arith.constant 256 : i32
      %add3A_496 = vector.broadcast %add3A_495 : i32 to vector<16xi32>
      %add3A_497 = arith.addi %add3A_496, %mul3A_8 : vector<16xi32>
      %add3A_498 = arith.addi %add3A_497, %get3A_494 : vector<16xi32>
      tpu.vector_store_idx %arg7[%add3A_498], %get3A_488 {add = true} : memref<512xf32, #tpu.memory_space<vmem>>[vector<16xi32>], vector<16xf32>,
      %add3A_499 = arith.constant 256 : i32
      %add3A_500 = vector.broadcast %add3A_499 : i32 to vector<16xi32>
      %add3A_501 = arith.addi %add3A_500, %mul3A_8 : vector<16xi32>
      %add3A_502 = arith.addi %add3A_501, %get3A_494 : vector<16xi32>
      tpu.vector_store_idx %arg8[%add3A_502], %broadcast_in_dim3A_5 {add = true} : memref<512xf32, #tpu.memory_space<vmem>>[vector<16xi32>], vector<16xf32>,
      %add3A_503 = arith.constant 64 : i32
      %add3A_504 = arith.addi %mul3A_422, %add3A_503 : i32
      %get3A_505 = arith.constant 0 : i32
      %get3A_506 = arith.index_cast %get3A_505 : i32 to index
      %get3A_507 = arith.index_cast %add3A_504 : i32 to index
      %get3A_508 = tpu.vector_load %arg5[%get3A_506, %get3A_507] {strides = array<i32>} : memref<2x16384xf32, #tpu.memory_space<vmem>>, vector<16xf32>,
      %add3A_509 = arith.constant 64 : i32
      %add3A_510 = arith.addi %mul3A_422, %add3A_509 : i32
      %get3A_511 = arith.constant 0 : i32
      %get3A_512 = arith.index_cast %get3A_511 : i32 to index
      %get3A_513 = arith.index_cast %add3A_510 : i32 to index
      %get3A_514 = tpu.vector_load %arg6[%get3A_512, %get3A_513] {strides = array<i32>} : memref<2x16384xi32, #tpu.memory_space<vmem>>, vector<16xi32>,
      %add3A_515 = arith.constant 0 : i32
      %add3A_516 = vector.broadcast %add3A_515 : i32 to vector<16xi32>
      %add3A_517 = arith.addi %add3A_516, %mul3A_8 : vector<16xi32>
      %add3A_518 = arith.addi %add3A_517, %get3A_514 : vector<16xi32>
      tpu.vector_store_idx %arg7[%add3A_518], %get3A_508 {add = true} : memref<512xf32, #tpu.memory_space<vmem>>[vector<16xi32>], vector<16xf32>,
      %add3A_519 = arith.constant 0 : i32
      %add3A_520 = vector.broadcast %add3A_519 : i32 to vector<16xi32>
      %add3A_521 = arith.addi %add3A_520, %mul3A_8 : vector<16xi32>
      %add3A_522 = arith.addi %add3A_521, %get3A_514 : vector<16xi32>
      tpu.vector_store_idx %arg8[%add3A_522], %broadcast_in_dim3A_5 {add = true} : memref<512xf32, #tpu.memory_space<vmem>>[vector<16xi32>], vector<16xf32>,
      %add3A_523 = arith.constant 80 : i32
      %add3A_524 = arith.addi %mul3A_422, %add3A_523 : i32
      %get3A_525 = arith.constant 0 : i32
      %get3A_526 = arith.index_cast %get3A_525 : i32 to index
      %get3A_527 = arith.index_cast %add3A_524 : i32 to index
      %get3A_528 = tpu.vector_load %arg5[%get3A_526, %get3A_527] {strides = array<i32>} : memref<2x16384xf32, #tpu.memory_space<vmem>>, vector<16xf32>,
      %add3A_529 = arith.constant 80 : i32
      %add3A_530 = arith.addi %mul3A_422, %add3A_529 : i32
      %get3A_531 = arith.constant 0 : i32
      %get3A_532 = arith.index_cast %get3A_531 : i32 to index
      %get3A_533 = arith.index_cast %add3A_530 : i32 to index
      %get3A_534 = tpu.vector_load %arg6[%get3A_532, %get3A_533] {strides = array<i32>} : memref<2x16384xi32, #tpu.memory_space<vmem>>, vector<16xi32>,
      %add3A_535 = arith.constant 256 : i32
      %add3A_536 = vector.broadcast %add3A_535 : i32 to vector<16xi32>
      %add3A_537 = arith.addi %add3A_536, %mul3A_8 : vector<16xi32>
      %add3A_538 = arith.addi %add3A_537, %get3A_534 : vector<16xi32>
      tpu.vector_store_idx %arg7[%add3A_538], %get3A_528 {add = true} : memref<512xf32, #tpu.memory_space<vmem>>[vector<16xi32>], vector<16xf32>,
      %add3A_539 = arith.constant 256 : i32
      %add3A_540 = vector.broadcast %add3A_539 : i32 to vector<16xi32>
      %add3A_541 = arith.addi %add3A_540, %mul3A_8 : vector<16xi32>
      %add3A_542 = arith.addi %add3A_541, %get3A_534 : vector<16xi32>
      tpu.vector_store_idx %arg8[%add3A_542], %broadcast_in_dim3A_5 {add = true} : memref<512xf32, #tpu.memory_space<vmem>>[vector<16xi32>], vector<16xf32>,
      %add3A_543 = arith.constant 96 : i32
      %add3A_544 = arith.addi %mul3A_422, %add3A_543 : i32
      %get3A_545 = arith.constant 0 : i32
      %get3A_546 = arith.index_cast %get3A_545 : i32 to index
      %get3A_547 = arith.index_cast %add3A_544 : i32 to index
      %get3A_548 = tpu.vector_load %arg5[%get3A_546, %get3A_547] {strides = array<i32>} : memref<2x16384xf32, #tpu.memory_space<vmem>>, vector<16xf32>,
      %add3A_549 = arith.constant 96 : i32
      %add3A_550 = arith.addi %mul3A_422, %add3A_549 : i32
      %get3A_551 = arith.constant 0 : i32
      %get3A_552 = arith.index_cast %get3A_551 : i32 to index
      %get3A_553 = arith.index_cast %add3A_550 : i32 to index
      %get3A_554 = tpu.vector_load %arg6[%get3A_552, %get3A_553] {strides = array<i32>} : memref<2x16384xi32, #tpu.memory_space<vmem>>, vector<16xi32>,
      %add3A_555 = arith.constant 0 : i32
      %add3A_556 = vector.broadcast %add3A_555 : i32 to vector<16xi32>
      %add3A_557 = arith.addi %add3A_556, %mul3A_8 : vector<16xi32>
      %add3A_558 = arith.addi %add3A_557, %get3A_554 : vector<16xi32>
      tpu.vector_store_idx %arg7[%add3A_558], %get3A_548 {add = true} : memref<512xf32, #tpu.memory_space<vmem>>[vector<16xi32>], vector<16xf32>,
      %add3A_559 = arith.constant 0 : i32
      %add3A_560 = vector.broadcast %add3A_559 : i32 to vector<16xi32>
      %add3A_561 = arith.addi %add3A_560, %mul3A_8 : vector<16xi32>
      %add3A_562 = arith.addi %add3A_561, %get3A_554 : vector<16xi32>
      tpu.vector_store_idx %arg8[%add3A_562], %broadcast_in_dim3A_5 {add = true} : memref<512xf32, #tpu.memory_space<vmem>>[vector<16xi32>], vector<16xf32>,
      %add3A_563 = arith.constant 112 : i32
      %add3A_564 = arith.addi %mul3A_422, %add3A_563 : i32
      %get3A_565 = arith.constant 0 : i32
      %get3A_566 = arith.index_cast %get3A_565 : i32 to index
      %get3A_567 = arith.index_cast %add3A_564 : i32 to index
      %get3A_568 = tpu.vector_load %arg5[%get3A_566, %get3A_567] {strides = array<i32>} : memref<2x16384xf32, #tpu.memory_space<vmem>>, vector<16xf32>,
      %add3A_569 = arith.constant 112 : i32
      %add3A_570 = arith.addi %mul3A_422, %add3A_569 : i32
      %get3A_571 = arith.constant 0 : i32
      %get3A_572 = arith.index_cast %get3A_571 : i32 to index
      %get3A_573 = arith.index_cast %add3A_570 : i32 to index
      %get3A_574 = tpu.vector_load %arg6[%get3A_572, %get3A_573] {strides = array<i32>} : memref<2x16384xi32, #tpu.memory_space<vmem>>, vector<16xi32>,
      %add3A_575 = arith.constant 256 : i32
      %add3A_576 = vector.broadcast %add3A_575 : i32 to vector<16xi32>
      %add3A_577 = arith.addi %add3A_576, %mul3A_8 : vector<16xi32>
      %add3A_578 = arith.addi %add3A_577, %get3A_574 : vector<16xi32>
      tpu.vector_store_idx %arg7[%add3A_578], %get3A_568 {add = true} : memref<512xf32, #tpu.memory_space<vmem>>[vector<16xi32>], vector<16xf32>,
      %add3A_579 = arith.constant 256 : i32
      %add3A_580 = vector.broadcast %add3A_579 : i32 to vector<16xi32>
      %add3A_581 = arith.addi %add3A_580, %mul3A_8 : vector<16xi32>
      %add3A_582 = arith.addi %add3A_581, %get3A_574 : vector<16xi32>
      tpu.vector_store_idx %arg8[%add3A_582], %broadcast_in_dim3A_5 {add = true} : memref<512xf32, #tpu.memory_space<vmem>>[vector<16xi32>], vector<16xf32>,
    }
    %scan3A_196 = arith.constant 128 : i32
    %dma_wait3A_197 = arith.constant 1 : i32
    %dma_wait3A_198 = arith.constant 0 : i32
    %dma_wait3A_199 = tpu.memref_slice %arg5[%dma_wait3A_197, %dma_wait3A_198] : memref<2x16384xf32, #tpu.memory_space<vmem>> -> memref<1x16384xf32, #tpu.memory_space<vmem>>
    %dma_wait3A_200 = tpu.memref_squeeze %dma_wait3A_199 : memref<1x16384xf32, #tpu.memory_space<vmem>> -> memref<16384xf32, #tpu.memory_space<vmem>>
    %dma_wait3A_201 = tpu.memref_slice %arg2[%add3A_156] : memref<1048576xf32, #tpu.memory_space<hbm>> -> memref<16384xf32, #tpu.memory_space<hbm>>
    %dma_wait3A_202 = arith.constant 0 : i32
    %dma_wait3A_203 = tpu.memref_slice %arg5[%dma_wait3A_197, %dma_wait3A_202] : memref<2x16384xf32, #tpu.memory_space<vmem>> -> memref<1x16384xf32, #tpu.memory_space<vmem>>
    %dma_wait3A_204 = tpu.memref_squeeze %dma_wait3A_203 : memref<1x16384xf32, #tpu.memory_space<vmem>> -> memref<16384xf32, #tpu.memory_space<vmem>>
    %dma_wait3A_205 = tpu.memref_slice %arg2[%add3A_156] : memref<1048576xf32, #tpu.memory_space<hbm>> -> memref<16384xf32, #tpu.memory_space<hbm>>
    tpu.wait_dma2 semaphore(%arg15 : memref<!tpu.dma_semaphore, #tpu.memory_space<semaphore_mem>>) src(%dma_wait3A_205 : memref<16384xf32, #tpu.memory_space<hbm>>) dst(%dma_wait3A_204 : memref<16384xf32, #tpu.memory_space<vmem>>)
    %dma_wait3A_206 = arith.constant 1 : i32
    %dma_wait3A_207 = arith.constant 0 : i32
    %dma_wait3A_208 = tpu.memref_slice %arg6[%dma_wait3A_206, %dma_wait3A_207] : memref<2x16384xi32, #tpu.memory_space<vmem>> -> memref<1x16384xi32, #tpu.memory_space<vmem>>
    %dma_wait3A_209 = tpu.memref_squeeze %dma_wait3A_208 : memref<1x16384xi32, #tpu.memory_space<vmem>> -> memref<16384xi32, #tpu.memory_space<vmem>>
    %dma_wait3A_210 = tpu.memref_slice %arg3[%add3A_156] : memref<1048576xi32, #tpu.memory_space<hbm>> -> memref<16384xi32, #tpu.memory_space<hbm>>
    %dma_wait3A_211 = arith.constant 0 : i32
    %dma_wait3A_212 = tpu.memref_slice %arg6[%dma_wait3A_206, %dma_wait3A_211] : memref<2x16384xi32, #tpu.memory_space<vmem>> -> memref<1x16384xi32, #tpu.memory_space<vmem>>
    %dma_wait3A_213 = tpu.memref_squeeze %dma_wait3A_212 : memref<1x16384xi32, #tpu.memory_space<vmem>> -> memref<16384xi32, #tpu.memory_space<vmem>>
    %dma_wait3A_214 = tpu.memref_slice %arg3[%add3A_156] : memref<1048576xi32, #tpu.memory_space<hbm>> -> memref<16384xi32, #tpu.memory_space<hbm>>
    tpu.wait_dma2 semaphore(%arg15 : memref<!tpu.dma_semaphore, #tpu.memory_space<semaphore_mem>>) src(%dma_wait3A_214 : memref<16384xi32, #tpu.memory_space<hbm>>) dst(%dma_wait3A_213 : memref<16384xi32, #tpu.memory_space<vmem>>)
    %scan3A_215 = arith.constant 0 : i32
    %scan3A_216 = arith.constant 0 : i32
    %scan3A_217 = arith.constant 128 : i32
    %scan3A_218 = arith.addi %scan3A_216, %scan3A_217 : i32
    %scan3A_219 = arith.constant 1 : i32
    scf.for %scan3A_420 = %scan3A_216 to %scan3A_218 step %scan3A_219  : i32 {
      %mul3A_421 = arith.constant 128 : i32
      %mul3A_422 = arith.muli %scan3A_420, %mul3A_421 : i32
      %add3A_423 = arith.constant 0 : i32
      %add3A_424 = arith.addi %mul3A_422, %add3A_423 : i32
      %get3A_425 = arith.constant 1 : i32
      %get3A_426 = arith.index_cast %get3A_425 : i32 to index
      %get3A_427 = arith.index_cast %add3A_424 : i32 to index
      %get3A_428 = tpu.vector_load %arg5[%get3A_426, %get3A_427] {strides = array<i32>} : memref<2x16384xf32, #tpu.memory_space<vmem>>, vector<16xf32>,
      %add3A_429 = arith.constant 0 : i32
      %add3A_430 = arith.addi %mul3A_422, %add3A_429 : i32
      %get3A_431 = arith.constant 1 : i32
      %get3A_432 = arith.index_cast %get3A_431 : i32 to index
      %get3A_433 = arith.index_cast %add3A_430 : i32 to index
      %get3A_434 = tpu.vector_load %arg6[%get3A_432, %get3A_433] {strides = array<i32>} : memref<2x16384xi32, #tpu.memory_space<vmem>>, vector<16xi32>,
      %add3A_435 = arith.constant 0 : i32
      %add3A_436 = vector.broadcast %add3A_435 : i32 to vector<16xi32>
      %add3A_437 = arith.addi %add3A_436, %mul3A_8 : vector<16xi32>
      %add3A_438 = arith.addi %add3A_437, %get3A_434 : vector<16xi32>
      tpu.vector_store_idx %arg7[%add3A_438], %get3A_428 {add = true} : memref<512xf32, #tpu.memory_space<vmem>>[vector<16xi32>], vector<16xf32>,
      %add3A_439 = arith.constant 0 : i32
      %add3A_440 = vector.broadcast %add3A_439 : i32 to vector<16xi32>
      %add3A_441 = arith.addi %add3A_440, %mul3A_8 : vector<16xi32>
      %add3A_442 = arith.addi %add3A_441, %get3A_434 : vector<16xi32>
      tpu.vector_store_idx %arg8[%add3A_442], %broadcast_in_dim3A_5 {add = true} : memref<512xf32, #tpu.memory_space<vmem>>[vector<16xi32>], vector<16xf32>,
      %add3A_443 = arith.constant 16 : i32
      %add3A_444 = arith.addi %mul3A_422, %add3A_443 : i32
      %get3A_445 = arith.constant 1 : i32
      %get3A_446 = arith.index_cast %get3A_445 : i32 to index
      %get3A_447 = arith.index_cast %add3A_444 : i32 to index
      %get3A_448 = tpu.vector_load %arg5[%get3A_446, %get3A_447] {strides = array<i32>} : memref<2x16384xf32, #tpu.memory_space<vmem>>, vector<16xf32>,
      %add3A_449 = arith.constant 16 : i32
      %add3A_450 = arith.addi %mul3A_422, %add3A_449 : i32
      %get3A_451 = arith.constant 1 : i32
      %get3A_452 = arith.index_cast %get3A_451 : i32 to index
      %get3A_453 = arith.index_cast %add3A_450 : i32 to index
      %get3A_454 = tpu.vector_load %arg6[%get3A_452, %get3A_453] {strides = array<i32>} : memref<2x16384xi32, #tpu.memory_space<vmem>>, vector<16xi32>,
      %add3A_455 = arith.constant 256 : i32
      %add3A_456 = vector.broadcast %add3A_455 : i32 to vector<16xi32>
      %add3A_457 = arith.addi %add3A_456, %mul3A_8 : vector<16xi32>
      %add3A_458 = arith.addi %add3A_457, %get3A_454 : vector<16xi32>
      tpu.vector_store_idx %arg7[%add3A_458], %get3A_448 {add = true} : memref<512xf32, #tpu.memory_space<vmem>>[vector<16xi32>], vector<16xf32>,
      %add3A_459 = arith.constant 256 : i32
      %add3A_460 = vector.broadcast %add3A_459 : i32 to vector<16xi32>
      %add3A_461 = arith.addi %add3A_460, %mul3A_8 : vector<16xi32>
      %add3A_462 = arith.addi %add3A_461, %get3A_454 : vector<16xi32>
      tpu.vector_store_idx %arg8[%add3A_462], %broadcast_in_dim3A_5 {add = true} : memref<512xf32, #tpu.memory_space<vmem>>[vector<16xi32>], vector<16xf32>,
      %add3A_463 = arith.constant 32 : i32
      %add3A_464 = arith.addi %mul3A_422, %add3A_463 : i32
      %get3A_465 = arith.constant 1 : i32
      %get3A_466 = arith.index_cast %get3A_465 : i32 to index
      %get3A_467 = arith.index_cast %add3A_464 : i32 to index
      %get3A_468 = tpu.vector_load %arg5[%get3A_466, %get3A_467] {strides = array<i32>} : memref<2x16384xf32, #tpu.memory_space<vmem>>, vector<16xf32>,
      %add3A_469 = arith.constant 32 : i32
      %add3A_470 = arith.addi %mul3A_422, %add3A_469 : i32
      %get3A_471 = arith.constant 1 : i32
      %get3A_472 = arith.index_cast %get3A_471 : i32 to index
      %get3A_473 = arith.index_cast %add3A_470 : i32 to index
      %get3A_474 = tpu.vector_load %arg6[%get3A_472, %get3A_473] {strides = array<i32>} : memref<2x16384xi32, #tpu.memory_space<vmem>>, vector<16xi32>,
      %add3A_475 = arith.constant 0 : i32
      %add3A_476 = vector.broadcast %add3A_475 : i32 to vector<16xi32>
      %add3A_477 = arith.addi %add3A_476, %mul3A_8 : vector<16xi32>
      %add3A_478 = arith.addi %add3A_477, %get3A_474 : vector<16xi32>
      tpu.vector_store_idx %arg7[%add3A_478], %get3A_468 {add = true} : memref<512xf32, #tpu.memory_space<vmem>>[vector<16xi32>], vector<16xf32>,
      %add3A_479 = arith.constant 0 : i32
      %add3A_480 = vector.broadcast %add3A_479 : i32 to vector<16xi32>
      %add3A_481 = arith.addi %add3A_480, %mul3A_8 : vector<16xi32>
      %add3A_482 = arith.addi %add3A_481, %get3A_474 : vector<16xi32>
      tpu.vector_store_idx %arg8[%add3A_482], %broadcast_in_dim3A_5 {add = true} : memref<512xf32, #tpu.memory_space<vmem>>[vector<16xi32>], vector<16xf32>,
      %add3A_483 = arith.constant 48 : i32
      %add3A_484 = arith.addi %mul3A_422, %add3A_483 : i32
      %get3A_485 = arith.constant 1 : i32
      %get3A_486 = arith.index_cast %get3A_485 : i32 to index
      %get3A_487 = arith.index_cast %add3A_484 : i32 to index
      %get3A_488 = tpu.vector_load %arg5[%get3A_486, %get3A_487] {strides = array<i32>} : memref<2x16384xf32, #tpu.memory_space<vmem>>, vector<16xf32>,
      %add3A_489 = arith.constant 48 : i32
      %add3A_490 = arith.addi %mul3A_422, %add3A_489 : i32
      %get3A_491 = arith.constant 1 : i32
      %get3A_492 = arith.index_cast %get3A_491 : i32 to index
      %get3A_493 = arith.index_cast %add3A_490 : i32 to index
      %get3A_494 = tpu.vector_load %arg6[%get3A_492, %get3A_493] {strides = array<i32>} : memref<2x16384xi32, #tpu.memory_space<vmem>>, vector<16xi32>,
      %add3A_495 = arith.constant 256 : i32
      %add3A_496 = vector.broadcast %add3A_495 : i32 to vector<16xi32>
      %add3A_497 = arith.addi %add3A_496, %mul3A_8 : vector<16xi32>
      %add3A_498 = arith.addi %add3A_497, %get3A_494 : vector<16xi32>
      tpu.vector_store_idx %arg7[%add3A_498], %get3A_488 {add = true} : memref<512xf32, #tpu.memory_space<vmem>>[vector<16xi32>], vector<16xf32>,
      %add3A_499 = arith.constant 256 : i32
      %add3A_500 = vector.broadcast %add3A_499 : i32 to vector<16xi32>
      %add3A_501 = arith.addi %add3A_500, %mul3A_8 : vector<16xi32>
      %add3A_502 = arith.addi %add3A_501, %get3A_494 : vector<16xi32>
      tpu.vector_store_idx %arg8[%add3A_502], %broadcast_in_dim3A_5 {add = true} : memref<512xf32, #tpu.memory_space<vmem>>[vector<16xi32>], vector<16xf32>,
      %add3A_503 = arith.constant 64 : i32
      %add3A_504 = arith.addi %mul3A_422, %add3A_503 : i32
      %get3A_505 = arith.constant 1 : i32
      %get3A_506 = arith.index_cast %get3A_505 : i32 to index
      %get3A_507 = arith.index_cast %add3A_504 : i32 to index
      %get3A_508 = tpu.vector_load %arg5[%get3A_506, %get3A_507] {strides = array<i32>} : memref<2x16384xf32, #tpu.memory_space<vmem>>, vector<16xf32>,
      %add3A_509 = arith.constant 64 : i32
      %add3A_510 = arith.addi %mul3A_422, %add3A_509 : i32
      %get3A_511 = arith.constant 1 : i32
      %get3A_512 = arith.index_cast %get3A_511 : i32 to index
      %get3A_513 = arith.index_cast %add3A_510 : i32 to index
      %get3A_514 = tpu.vector_load %arg6[%get3A_512, %get3A_513] {strides = array<i32>} : memref<2x16384xi32, #tpu.memory_space<vmem>>, vector<16xi32>,
      %add3A_515 = arith.constant 0 : i32
      %add3A_516 = vector.broadcast %add3A_515 : i32 to vector<16xi32>
      %add3A_517 = arith.addi %add3A_516, %mul3A_8 : vector<16xi32>
      %add3A_518 = arith.addi %add3A_517, %get3A_514 : vector<16xi32>
      tpu.vector_store_idx %arg7[%add3A_518], %get3A_508 {add = true} : memref<512xf32, #tpu.memory_space<vmem>>[vector<16xi32>], vector<16xf32>,
      %add3A_519 = arith.constant 0 : i32
      %add3A_520 = vector.broadcast %add3A_519 : i32 to vector<16xi32>
      %add3A_521 = arith.addi %add3A_520, %mul3A_8 : vector<16xi32>
      %add3A_522 = arith.addi %add3A_521, %get3A_514 : vector<16xi32>
      tpu.vector_store_idx %arg8[%add3A_522], %broadcast_in_dim3A_5 {add = true} : memref<512xf32, #tpu.memory_space<vmem>>[vector<16xi32>], vector<16xf32>,
      %add3A_523 = arith.constant 80 : i32
      %add3A_524 = arith.addi %mul3A_422, %add3A_523 : i32
      %get3A_525 = arith.constant 1 : i32
      %get3A_526 = arith.index_cast %get3A_525 : i32 to index
      %get3A_527 = arith.index_cast %add3A_524 : i32 to index
      %get3A_528 = tpu.vector_load %arg5[%get3A_526, %get3A_527] {strides = array<i32>} : memref<2x16384xf32, #tpu.memory_space<vmem>>, vector<16xf32>,
      %add3A_529 = arith.constant 80 : i32
      %add3A_530 = arith.addi %mul3A_422, %add3A_529 : i32
      %get3A_531 = arith.constant 1 : i32
      %get3A_532 = arith.index_cast %get3A_531 : i32 to index
      %get3A_533 = arith.index_cast %add3A_530 : i32 to index
      %get3A_534 = tpu.vector_load %arg6[%get3A_532, %get3A_533] {strides = array<i32>} : memref<2x16384xi32, #tpu.memory_space<vmem>>, vector<16xi32>,
      %add3A_535 = arith.constant 256 : i32
      %add3A_536 = vector.broadcast %add3A_535 : i32 to vector<16xi32>
      %add3A_537 = arith.addi %add3A_536, %mul3A_8 : vector<16xi32>
      %add3A_538 = arith.addi %add3A_537, %get3A_534 : vector<16xi32>
      tpu.vector_store_idx %arg7[%add3A_538], %get3A_528 {add = true} : memref<512xf32, #tpu.memory_space<vmem>>[vector<16xi32>], vector<16xf32>,
      %add3A_539 = arith.constant 256 : i32
      %add3A_540 = vector.broadcast %add3A_539 : i32 to vector<16xi32>
      %add3A_541 = arith.addi %add3A_540, %mul3A_8 : vector<16xi32>
      %add3A_542 = arith.addi %add3A_541, %get3A_534 : vector<16xi32>
      tpu.vector_store_idx %arg8[%add3A_542], %broadcast_in_dim3A_5 {add = true} : memref<512xf32, #tpu.memory_space<vmem>>[vector<16xi32>], vector<16xf32>,
      %add3A_543 = arith.constant 96 : i32
      %add3A_544 = arith.addi %mul3A_422, %add3A_543 : i32
      %get3A_545 = arith.constant 1 : i32
      %get3A_546 = arith.index_cast %get3A_545 : i32 to index
      %get3A_547 = arith.index_cast %add3A_544 : i32 to index
      %get3A_548 = tpu.vector_load %arg5[%get3A_546, %get3A_547] {strides = array<i32>} : memref<2x16384xf32, #tpu.memory_space<vmem>>, vector<16xf32>,
      %add3A_549 = arith.constant 96 : i32
      %add3A_550 = arith.addi %mul3A_422, %add3A_549 : i32
      %get3A_551 = arith.constant 1 : i32
      %get3A_552 = arith.index_cast %get3A_551 : i32 to index
      %get3A_553 = arith.index_cast %add3A_550 : i32 to index
      %get3A_554 = tpu.vector_load %arg6[%get3A_552, %get3A_553] {strides = array<i32>} : memref<2x16384xi32, #tpu.memory_space<vmem>>, vector<16xi32>,
      %add3A_555 = arith.constant 0 : i32
      %add3A_556 = vector.broadcast %add3A_555 : i32 to vector<16xi32>
      %add3A_557 = arith.addi %add3A_556, %mul3A_8 : vector<16xi32>
      %add3A_558 = arith.addi %add3A_557, %get3A_554 : vector<16xi32>
      tpu.vector_store_idx %arg7[%add3A_558], %get3A_548 {add = true} : memref<512xf32, #tpu.memory_space<vmem>>[vector<16xi32>], vector<16xf32>,
      %add3A_559 = arith.constant 0 : i32
      %add3A_560 = vector.broadcast %add3A_559 : i32 to vector<16xi32>
      %add3A_561 = arith.addi %add3A_560, %mul3A_8 : vector<16xi32>
      %add3A_562 = arith.addi %add3A_561, %get3A_554 : vector<16xi32>
      tpu.vector_store_idx %arg8[%add3A_562], %broadcast_in_dim3A_5 {add = true} : memref<512xf32, #tpu.memory_space<vmem>>[vector<16xi32>], vector<16xf32>,
      %add3A_563 = arith.constant 112 : i32
      %add3A_564 = arith.addi %mul3A_422, %add3A_563 : i32
      %get3A_565 = arith.constant 1 : i32
      %get3A_566 = arith.index_cast %get3A_565 : i32 to index
      %get3A_567 = arith.index_cast %add3A_564 : i32 to index
      %get3A_568 = tpu.vector_load %arg5[%get3A_566, %get3A_567] {strides = array<i32>} : memref<2x16384xf32, #tpu.memory_space<vmem>>, vector<16xf32>,
      %add3A_569 = arith.constant 112 : i32
      %add3A_570 = arith.addi %mul3A_422, %add3A_569 : i32
      %get3A_571 = arith.constant 1 : i32
      %get3A_572 = arith.index_cast %get3A_571 : i32 to index
      %get3A_573 = arith.index_cast %add3A_570 : i32 to index
      %get3A_574 = tpu.vector_load %arg6[%get3A_572, %get3A_573] {strides = array<i32>} : memref<2x16384xi32, #tpu.memory_space<vmem>>, vector<16xi32>,
      %add3A_575 = arith.constant 256 : i32
      %add3A_576 = vector.broadcast %add3A_575 : i32 to vector<16xi32>
      %add3A_577 = arith.addi %add3A_576, %mul3A_8 : vector<16xi32>
      %add3A_578 = arith.addi %add3A_577, %get3A_574 : vector<16xi32>
      tpu.vector_store_idx %arg7[%add3A_578], %get3A_568 {add = true} : memref<512xf32, #tpu.memory_space<vmem>>[vector<16xi32>], vector<16xf32>,
      %add3A_579 = arith.constant 256 : i32
      %add3A_580 = vector.broadcast %add3A_579 : i32 to vector<16xi32>
      %add3A_581 = arith.addi %add3A_580, %mul3A_8 : vector<16xi32>
      %add3A_582 = arith.addi %add3A_581, %get3A_574 : vector<16xi32>
      tpu.vector_store_idx %arg8[%add3A_582], %broadcast_in_dim3A_5 {add = true} : memref<512xf32, #tpu.memory_space<vmem>>[vector<16xi32>], vector<16xf32>,
    }
    %scan3A_220 = arith.constant 128 : i32
    %get3A = arith.constant 0 : index
    %get3A_221 = tpu.vector_load %arg7[%get3A] {strides = array<i32>} : memref<512xf32, #tpu.memory_space<vmem>>, vector<16xf32>,
    %get3A_222 = arith.constant 0 : index
    %get3A_223 = tpu.vector_load %arg8[%get3A_222] {strides = array<i32>} : memref<512xf32, #tpu.memory_space<vmem>>, vector<16xf32>,
    %get3A_224 = arith.constant 16 : index
    %get3A_225 = tpu.vector_load %arg7[%get3A_224] {strides = array<i32>} : memref<512xf32, #tpu.memory_space<vmem>>, vector<16xf32>,
    %add3A_226 = arith.addf %get3A_221, %get3A_225 : vector<16xf32>
    %get3A_227 = arith.constant 16 : index
    %get3A_228 = tpu.vector_load %arg8[%get3A_227] {strides = array<i32>} : memref<512xf32, #tpu.memory_space<vmem>>, vector<16xf32>,
    %add3A_229 = arith.addf %get3A_223, %get3A_228 : vector<16xf32>
    %get3A_230 = arith.constant 32 : index
    %get3A_231 = tpu.vector_load %arg7[%get3A_230] {strides = array<i32>} : memref<512xf32, #tpu.memory_space<vmem>>, vector<16xf32>,
    %add3A_232 = arith.addf %add3A_226, %get3A_231 : vector<16xf32>
    %get3A_233 = arith.constant 32 : index
    %get3A_234 = tpu.vector_load %arg8[%get3A_233] {strides = array<i32>} : memref<512xf32, #tpu.memory_space<vmem>>, vector<16xf32>,
    %add3A_235 = arith.addf %add3A_229, %get3A_234 : vector<16xf32>
    %get3A_236 = arith.constant 48 : index
    %get3A_237 = tpu.vector_load %arg7[%get3A_236] {strides = array<i32>} : memref<512xf32, #tpu.memory_space<vmem>>, vector<16xf32>,
    %add3A_238 = arith.addf %add3A_232, %get3A_237 : vector<16xf32>
    %get3A_239 = arith.constant 48 : index
    %get3A_240 = tpu.vector_load %arg8[%get3A_239] {strides = array<i32>} : memref<512xf32, #tpu.memory_space<vmem>>, vector<16xf32>,
    %add3A_241 = arith.addf %add3A_235, %get3A_240 : vector<16xf32>
    %get3A_242 = arith.constant 64 : index
    %get3A_243 = tpu.vector_load %arg7[%get3A_242] {strides = array<i32>} : memref<512xf32, #tpu.memory_space<vmem>>, vector<16xf32>,
    %add3A_244 = arith.addf %add3A_238, %get3A_243 : vector<16xf32>
    %get3A_245 = arith.constant 64 : index
    %get3A_246 = tpu.vector_load %arg8[%get3A_245] {strides = array<i32>} : memref<512xf32, #tpu.memory_space<vmem>>, vector<16xf32>,
    %add3A_247 = arith.addf %add3A_241, %get3A_246 : vector<16xf32>
    %get3A_248 = arith.constant 80 : index
    %get3A_249 = tpu.vector_load %arg7[%get3A_248] {strides = array<i32>} : memref<512xf32, #tpu.memory_space<vmem>>, vector<16xf32>,
    %add3A_250 = arith.addf %add3A_244, %get3A_249 : vector<16xf32>
    %get3A_251 = arith.constant 80 : index
    %get3A_252 = tpu.vector_load %arg8[%get3A_251] {strides = array<i32>} : memref<512xf32, #tpu.memory_space<vmem>>, vector<16xf32>,
    %add3A_253 = arith.addf %add3A_247, %get3A_252 : vector<16xf32>
    %get3A_254 = arith.constant 96 : index
    %get3A_255 = tpu.vector_load %arg7[%get3A_254] {strides = array<i32>} : memref<512xf32, #tpu.memory_space<vmem>>, vector<16xf32>,
    %add3A_256 = arith.addf %add3A_250, %get3A_255 : vector<16xf32>
    %get3A_257 = arith.constant 96 : index
    %get3A_258 = tpu.vector_load %arg8[%get3A_257] {strides = array<i32>} : memref<512xf32, #tpu.memory_space<vmem>>, vector<16xf32>,
    %add3A_259 = arith.addf %add3A_253, %get3A_258 : vector<16xf32>
    %get3A_260 = arith.constant 112 : index
    %get3A_261 = tpu.vector_load %arg7[%get3A_260] {strides = array<i32>} : memref<512xf32, #tpu.memory_space<vmem>>, vector<16xf32>,
    %add3A_262 = arith.addf %add3A_256, %get3A_261 : vector<16xf32>
    %get3A_263 = arith.constant 112 : index
    %get3A_264 = tpu.vector_load %arg8[%get3A_263] {strides = array<i32>} : memref<512xf32, #tpu.memory_space<vmem>>, vector<16xf32>,
    %add3A_265 = arith.addf %add3A_259, %get3A_264 : vector<16xf32>
    %get3A_266 = arith.constant 128 : index
    %get3A_267 = tpu.vector_load %arg7[%get3A_266] {strides = array<i32>} : memref<512xf32, #tpu.memory_space<vmem>>, vector<16xf32>,
    %add3A_268 = arith.addf %add3A_262, %get3A_267 : vector<16xf32>
    %get3A_269 = arith.constant 128 : index
    %get3A_270 = tpu.vector_load %arg8[%get3A_269] {strides = array<i32>} : memref<512xf32, #tpu.memory_space<vmem>>, vector<16xf32>,
    %add3A_271 = arith.addf %add3A_265, %get3A_270 : vector<16xf32>
    %get3A_272 = arith.constant 144 : index
    %get3A_273 = tpu.vector_load %arg7[%get3A_272] {strides = array<i32>} : memref<512xf32, #tpu.memory_space<vmem>>, vector<16xf32>,
    %add3A_274 = arith.addf %add3A_268, %get3A_273 : vector<16xf32>
    %get3A_275 = arith.constant 144 : index
    %get3A_276 = tpu.vector_load %arg8[%get3A_275] {strides = array<i32>} : memref<512xf32, #tpu.memory_space<vmem>>, vector<16xf32>,
    %add3A_277 = arith.addf %add3A_271, %get3A_276 : vector<16xf32>
    %get3A_278 = arith.constant 160 : index
    %get3A_279 = tpu.vector_load %arg7[%get3A_278] {strides = array<i32>} : memref<512xf32, #tpu.memory_space<vmem>>, vector<16xf32>,
    %add3A_280 = arith.addf %add3A_274, %get3A_279 : vector<16xf32>
    %get3A_281 = arith.constant 160 : index
    %get3A_282 = tpu.vector_load %arg8[%get3A_281] {strides = array<i32>} : memref<512xf32, #tpu.memory_space<vmem>>, vector<16xf32>,
    %add3A_283 = arith.addf %add3A_277, %get3A_282 : vector<16xf32>
    %get3A_284 = arith.constant 176 : index
    %get3A_285 = tpu.vector_load %arg7[%get3A_284] {strides = array<i32>} : memref<512xf32, #tpu.memory_space<vmem>>, vector<16xf32>,
    %add3A_286 = arith.addf %add3A_280, %get3A_285 : vector<16xf32>
    %get3A_287 = arith.constant 176 : index
    %get3A_288 = tpu.vector_load %arg8[%get3A_287] {strides = array<i32>} : memref<512xf32, #tpu.memory_space<vmem>>, vector<16xf32>,
    %add3A_289 = arith.addf %add3A_283, %get3A_288 : vector<16xf32>
    %get3A_290 = arith.constant 192 : index
    %get3A_291 = tpu.vector_load %arg7[%get3A_290] {strides = array<i32>} : memref<512xf32, #tpu.memory_space<vmem>>, vector<16xf32>,
    %add3A_292 = arith.addf %add3A_286, %get3A_291 : vector<16xf32>
    %get3A_293 = arith.constant 192 : index
    %get3A_294 = tpu.vector_load %arg8[%get3A_293] {strides = array<i32>} : memref<512xf32, #tpu.memory_space<vmem>>, vector<16xf32>,
    %add3A_295 = arith.addf %add3A_289, %get3A_294 : vector<16xf32>
    %get3A_296 = arith.constant 208 : index
    %get3A_297 = tpu.vector_load %arg7[%get3A_296] {strides = array<i32>} : memref<512xf32, #tpu.memory_space<vmem>>, vector<16xf32>,
    %add3A_298 = arith.addf %add3A_292, %get3A_297 : vector<16xf32>
    %get3A_299 = arith.constant 208 : index
    %get3A_300 = tpu.vector_load %arg8[%get3A_299] {strides = array<i32>} : memref<512xf32, #tpu.memory_space<vmem>>, vector<16xf32>,
    %add3A_301 = arith.addf %add3A_295, %get3A_300 : vector<16xf32>
    %get3A_302 = arith.constant 224 : index
    %get3A_303 = tpu.vector_load %arg7[%get3A_302] {strides = array<i32>} : memref<512xf32, #tpu.memory_space<vmem>>, vector<16xf32>,
    %add3A_304 = arith.addf %add3A_298, %get3A_303 : vector<16xf32>
    %get3A_305 = arith.constant 224 : index
    %get3A_306 = tpu.vector_load %arg8[%get3A_305] {strides = array<i32>} : memref<512xf32, #tpu.memory_space<vmem>>, vector<16xf32>,
    %add3A_307 = arith.addf %add3A_301, %get3A_306 : vector<16xf32>
    %get3A_308 = arith.constant 240 : index
    %get3A_309 = tpu.vector_load %arg7[%get3A_308] {strides = array<i32>} : memref<512xf32, #tpu.memory_space<vmem>>, vector<16xf32>,
    %add3A_310 = arith.addf %add3A_304, %get3A_309 : vector<16xf32>
    %get3A_311 = arith.constant 240 : index
    %get3A_312 = tpu.vector_load %arg8[%get3A_311] {strides = array<i32>} : memref<512xf32, #tpu.memory_space<vmem>>, vector<16xf32>,
    %add3A_313 = arith.addf %add3A_307, %get3A_312 : vector<16xf32>
    %get3A_314 = arith.constant 256 : index
    %get3A_315 = tpu.vector_load %arg7[%get3A_314] {strides = array<i32>} : memref<512xf32, #tpu.memory_space<vmem>>, vector<16xf32>,
    %add3A_316 = arith.addf %add3A_310, %get3A_315 : vector<16xf32>
    %get3A_317 = arith.constant 256 : index
    %get3A_318 = tpu.vector_load %arg8[%get3A_317] {strides = array<i32>} : memref<512xf32, #tpu.memory_space<vmem>>, vector<16xf32>,
    %add3A_319 = arith.addf %add3A_313, %get3A_318 : vector<16xf32>
    %get3A_320 = arith.constant 272 : index
    %get3A_321 = tpu.vector_load %arg7[%get3A_320] {strides = array<i32>} : memref<512xf32, #tpu.memory_space<vmem>>, vector<16xf32>,
    %add3A_322 = arith.addf %add3A_316, %get3A_321 : vector<16xf32>
    %get3A_323 = arith.constant 272 : index
    %get3A_324 = tpu.vector_load %arg8[%get3A_323] {strides = array<i32>} : memref<512xf32, #tpu.memory_space<vmem>>, vector<16xf32>,
    %add3A_325 = arith.addf %add3A_319, %get3A_324 : vector<16xf32>
    %get3A_326 = arith.constant 288 : index
    %get3A_327 = tpu.vector_load %arg7[%get3A_326] {strides = array<i32>} : memref<512xf32, #tpu.memory_space<vmem>>, vector<16xf32>,
    %add3A_328 = arith.addf %add3A_322, %get3A_327 : vector<16xf32>
    %get3A_329 = arith.constant 288 : index
    %get3A_330 = tpu.vector_load %arg8[%get3A_329] {strides = array<i32>} : memref<512xf32, #tpu.memory_space<vmem>>, vector<16xf32>,
    %add3A_331 = arith.addf %add3A_325, %get3A_330 : vector<16xf32>
    %get3A_332 = arith.constant 304 : index
    %get3A_333 = tpu.vector_load %arg7[%get3A_332] {strides = array<i32>} : memref<512xf32, #tpu.memory_space<vmem>>, vector<16xf32>,
    %add3A_334 = arith.addf %add3A_328, %get3A_333 : vector<16xf32>
    %get3A_335 = arith.constant 304 : index
    %get3A_336 = tpu.vector_load %arg8[%get3A_335] {strides = array<i32>} : memref<512xf32, #tpu.memory_space<vmem>>, vector<16xf32>,
    %add3A_337 = arith.addf %add3A_331, %get3A_336 : vector<16xf32>
    %get3A_338 = arith.constant 320 : index
    %get3A_339 = tpu.vector_load %arg7[%get3A_338] {strides = array<i32>} : memref<512xf32, #tpu.memory_space<vmem>>, vector<16xf32>,
    %add3A_340 = arith.addf %add3A_334, %get3A_339 : vector<16xf32>
    %get3A_341 = arith.constant 320 : index
    %get3A_342 = tpu.vector_load %arg8[%get3A_341] {strides = array<i32>} : memref<512xf32, #tpu.memory_space<vmem>>, vector<16xf32>,
    %add3A_343 = arith.addf %add3A_337, %get3A_342 : vector<16xf32>
    %get3A_344 = arith.constant 336 : index
    %get3A_345 = tpu.vector_load %arg7[%get3A_344] {strides = array<i32>} : memref<512xf32, #tpu.memory_space<vmem>>, vector<16xf32>,
    %add3A_346 = arith.addf %add3A_340, %get3A_345 : vector<16xf32>
    %get3A_347 = arith.constant 336 : index
    %get3A_348 = tpu.vector_load %arg8[%get3A_347] {strides = array<i32>} : memref<512xf32, #tpu.memory_space<vmem>>, vector<16xf32>,
    %add3A_349 = arith.addf %add3A_343, %get3A_348 : vector<16xf32>
    %get3A_350 = arith.constant 352 : index
    %get3A_351 = tpu.vector_load %arg7[%get3A_350] {strides = array<i32>} : memref<512xf32, #tpu.memory_space<vmem>>, vector<16xf32>,
    %add3A_352 = arith.addf %add3A_346, %get3A_351 : vector<16xf32>
    %get3A_353 = arith.constant 352 : index
    %get3A_354 = tpu.vector_load %arg8[%get3A_353] {strides = array<i32>} : memref<512xf32, #tpu.memory_space<vmem>>, vector<16xf32>,
    %add3A_355 = arith.addf %add3A_349, %get3A_354 : vector<16xf32>
    %get3A_356 = arith.constant 368 : index
    %get3A_357 = tpu.vector_load %arg7[%get3A_356] {strides = array<i32>} : memref<512xf32, #tpu.memory_space<vmem>>, vector<16xf32>,
    %add3A_358 = arith.addf %add3A_352, %get3A_357 : vector<16xf32>
    %get3A_359 = arith.constant 368 : index
    %get3A_360 = tpu.vector_load %arg8[%get3A_359] {strides = array<i32>} : memref<512xf32, #tpu.memory_space<vmem>>, vector<16xf32>,
    %add3A_361 = arith.addf %add3A_355, %get3A_360 : vector<16xf32>
    %get3A_362 = arith.constant 384 : index
    %get3A_363 = tpu.vector_load %arg7[%get3A_362] {strides = array<i32>} : memref<512xf32, #tpu.memory_space<vmem>>, vector<16xf32>,
    %add3A_364 = arith.addf %add3A_358, %get3A_363 : vector<16xf32>
    %get3A_365 = arith.constant 384 : index
    %get3A_366 = tpu.vector_load %arg8[%get3A_365] {strides = array<i32>} : memref<512xf32, #tpu.memory_space<vmem>>, vector<16xf32>,
    %add3A_367 = arith.addf %add3A_361, %get3A_366 : vector<16xf32>
    %get3A_368 = arith.constant 400 : index
    %get3A_369 = tpu.vector_load %arg7[%get3A_368] {strides = array<i32>} : memref<512xf32, #tpu.memory_space<vmem>>, vector<16xf32>,
    %add3A_370 = arith.addf %add3A_364, %get3A_369 : vector<16xf32>
    %get3A_371 = arith.constant 400 : index
    %get3A_372 = tpu.vector_load %arg8[%get3A_371] {strides = array<i32>} : memref<512xf32, #tpu.memory_space<vmem>>, vector<16xf32>,
    %add3A_373 = arith.addf %add3A_367, %get3A_372 : vector<16xf32>
    %get3A_374 = arith.constant 416 : index
    %get3A_375 = tpu.vector_load %arg7[%get3A_374] {strides = array<i32>} : memref<512xf32, #tpu.memory_space<vmem>>, vector<16xf32>,
    %add3A_376 = arith.addf %add3A_370, %get3A_375 : vector<16xf32>
    %get3A_377 = arith.constant 416 : index
    %get3A_378 = tpu.vector_load %arg8[%get3A_377] {strides = array<i32>} : memref<512xf32, #tpu.memory_space<vmem>>, vector<16xf32>,
    %add3A_379 = arith.addf %add3A_373, %get3A_378 : vector<16xf32>
    %get3A_380 = arith.constant 432 : index
    %get3A_381 = tpu.vector_load %arg7[%get3A_380] {strides = array<i32>} : memref<512xf32, #tpu.memory_space<vmem>>, vector<16xf32>,
    %add3A_382 = arith.addf %add3A_376, %get3A_381 : vector<16xf32>
    %get3A_383 = arith.constant 432 : index
    %get3A_384 = tpu.vector_load %arg8[%get3A_383] {strides = array<i32>} : memref<512xf32, #tpu.memory_space<vmem>>, vector<16xf32>,
    %add3A_385 = arith.addf %add3A_379, %get3A_384 : vector<16xf32>
    %get3A_386 = arith.constant 448 : index
    %get3A_387 = tpu.vector_load %arg7[%get3A_386] {strides = array<i32>} : memref<512xf32, #tpu.memory_space<vmem>>, vector<16xf32>,
    %add3A_388 = arith.addf %add3A_382, %get3A_387 : vector<16xf32>
    %get3A_389 = arith.constant 448 : index
    %get3A_390 = tpu.vector_load %arg8[%get3A_389] {strides = array<i32>} : memref<512xf32, #tpu.memory_space<vmem>>, vector<16xf32>,
    %add3A_391 = arith.addf %add3A_385, %get3A_390 : vector<16xf32>
    %get3A_392 = arith.constant 464 : index
    %get3A_393 = tpu.vector_load %arg7[%get3A_392] {strides = array<i32>} : memref<512xf32, #tpu.memory_space<vmem>>, vector<16xf32>,
    %add3A_394 = arith.addf %add3A_388, %get3A_393 : vector<16xf32>
    %get3A_395 = arith.constant 464 : index
    %get3A_396 = tpu.vector_load %arg8[%get3A_395] {strides = array<i32>} : memref<512xf32, #tpu.memory_space<vmem>>, vector<16xf32>,
    %add3A_397 = arith.addf %add3A_391, %get3A_396 : vector<16xf32>
    %get3A_398 = arith.constant 480 : index
    %get3A_399 = tpu.vector_load %arg7[%get3A_398] {strides = array<i32>} : memref<512xf32, #tpu.memory_space<vmem>>, vector<16xf32>,
    %add3A_400 = arith.addf %add3A_394, %get3A_399 : vector<16xf32>
    %get3A_401 = arith.constant 480 : index
    %get3A_402 = tpu.vector_load %arg8[%get3A_401] {strides = array<i32>} : memref<512xf32, #tpu.memory_space<vmem>>, vector<16xf32>,
    %add3A_403 = arith.addf %add3A_397, %get3A_402 : vector<16xf32>
    %get3A_404 = arith.constant 496 : index
    %get3A_405 = tpu.vector_load %arg7[%get3A_404] {strides = array<i32>} : memref<512xf32, #tpu.memory_space<vmem>>, vector<16xf32>,
    %add3A_406 = arith.addf %add3A_400, %get3A_405 : vector<16xf32>
    %get3A_407 = arith.constant 496 : index
    %get3A_408 = tpu.vector_load %arg8[%get3A_407] {strides = array<i32>} : memref<512xf32, #tpu.memory_space<vmem>>, vector<16xf32>,
    %add3A_409 = arith.addf %add3A_403, %get3A_408 : vector<16xf32>
    %swap3A_410 = arith.constant 0 : index
    %swap3A_411 = tpu.vector_load %arg9[%swap3A_410] {strides = array<i32>} : memref<16xf32, #tpu.memory_space<vmem>>, vector<16xf32>,
    tpu.vector_store %arg9[%swap3A_410], %add3A_406 {strides = array<i32>} : memref<16xf32, #tpu.memory_space<vmem>>, vector<16xf32>,
    %swap3A_412 = arith.constant 0 : index
    %swap3A_413 = tpu.vector_load %arg10[%swap3A_412] {strides = array<i32>} : memref<16xf32, #tpu.memory_space<vmem>>, vector<16xf32>,
    tpu.vector_store %arg10[%swap3A_412], %add3A_409 {strides = array<i32>} : memref<16xf32, #tpu.memory_space<vmem>>, vector<16xf32>,
    %mul3A_414 = arith.constant 16 : i32
    %mul3A_415 = arith.muli %arg1, %mul3A_414 : i32
    "tpu.region"() ({
      %run_scoped3A = tpu.sem_alloc : memref<!tpu.dma_semaphore, #tpu.memory_space<semaphore_mem>>
      %dma_start3A_420 = tpu.memref_slice %arg12[%mul3A_415] : memref<256xf32, #tpu.memory_space<vmem_shared>> -> memref<16xf32, #tpu.memory_space<vmem_shared>>
      %dma_start3A_421 = tpu.memref_slice %arg12[%mul3A_415] : memref<256xf32, #tpu.memory_space<vmem_shared>> -> memref<16xf32, #tpu.memory_space<vmem_shared>>
      tpu.enqueue_dma source(%arg9 : memref<16xf32, #tpu.memory_space<vmem>>) target(%dma_start3A_421 : memref<16xf32, #tpu.memory_space<vmem_shared>>) target_semaphore(%run_scoped3A : memref<!tpu.dma_semaphore, #tpu.memory_space<semaphore_mem>>)
      %dma_wait3A_422 = tpu.memref_slice %arg12[%mul3A_415] : memref<256xf32, #tpu.memory_space<vmem_shared>> -> memref<16xf32, #tpu.memory_space<vmem_shared>>
      %dma_wait3A_423 = tpu.memref_slice %arg12[%mul3A_415] : memref<256xf32, #tpu.memory_space<vmem_shared>> -> memref<16xf32, #tpu.memory_space<vmem_shared>>
      tpu.wait_dma2 semaphore(%run_scoped3A : memref<!tpu.dma_semaphore, #tpu.memory_space<semaphore_mem>>) src(%arg9 : memref<16xf32, #tpu.memory_space<vmem>>) dst(%dma_wait3A_423 : memref<16xf32, #tpu.memory_space<vmem_shared>>)
      tpu.yield
    }) : () -> ()
    %mul3A_416 = arith.constant 16 : i32
    %mul3A_417 = arith.muli %arg1, %mul3A_416 : i32
    "tpu.region"() ({
      %run_scoped3A = tpu.sem_alloc : memref<!tpu.dma_semaphore, #tpu.memory_space<semaphore_mem>>
      %dma_start3A_420 = tpu.memref_slice %arg13[%mul3A_417] : memref<256xf32, #tpu.memory_space<vmem_shared>> -> memref<16xf32, #tpu.memory_space<vmem_shared>>
      %dma_start3A_421 = tpu.memref_slice %arg13[%mul3A_417] : memref<256xf32, #tpu.memory_space<vmem_shared>> -> memref<16xf32, #tpu.memory_space<vmem_shared>>
      tpu.enqueue_dma source(%arg10 : memref<16xf32, #tpu.memory_space<vmem>>) target(%dma_start3A_421 : memref<16xf32, #tpu.memory_space<vmem_shared>>) target_semaphore(%run_scoped3A : memref<!tpu.dma_semaphore, #tpu.memory_space<semaphore_mem>>)
      %dma_wait3A_422 = tpu.memref_slice %arg13[%mul3A_417] : memref<256xf32, #tpu.memory_space<vmem_shared>> -> memref<16xf32, #tpu.memory_space<vmem_shared>>
      %dma_wait3A_423 = tpu.memref_slice %arg13[%mul3A_417] : memref<256xf32, #tpu.memory_space<vmem_shared>> -> memref<16xf32, #tpu.memory_space<vmem_shared>>
      tpu.wait_dma2 semaphore(%run_scoped3A : memref<!tpu.dma_semaphore, #tpu.memory_space<semaphore_mem>>) src(%arg10 : memref<16xf32, #tpu.memory_space<vmem>>) dst(%dma_wait3A_423 : memref<16xf32, #tpu.memory_space<vmem_shared>>)
      tpu.yield
    }) : () -> ()
    %barrier3A = arith.constant 0 : index
    tpu.barrier barrier_id(%barrier3A)
    %eq3A = arith.constant 0 : i32
    %eq3A_418 = arith.cmpi eq, %arg1, %eq3A : i32
    %convert_element_type3A = arith.extui %eq3A_418 : i1 to i32
    %cond3A = arith.constant 0 : i32
    %cond3A_419 = arith.cmpi ne, %convert_element_type3A, %cond3A : i32
    scf.if %cond3A_419 {
      "tpu.region"() ({
        %run_scoped3A = tpu.sem_alloc : memref<!tpu.dma_semaphore, #tpu.memory_space<semaphore_mem>>
        %dma_start3A_559 = arith.constant 0 : i32
        %dma_start3A_560 = tpu.memref_slice %arg7[%dma_start3A_559] : memref<512xf32, #tpu.memory_space<vmem>> -> memref<256xf32, #tpu.memory_space<vmem>>
        %dma_start3A_561 = arith.constant 0 : i32
        %dma_start3A_562 = tpu.memref_slice %arg7[%dma_start3A_561] : memref<512xf32, #tpu.memory_space<vmem>> -> memref<256xf32, #tpu.memory_space<vmem>>
        tpu.enqueue_dma source(%arg12 : memref<256xf32, #tpu.memory_space<vmem_shared>>) target(%dma_start3A_562 : memref<256xf32, #tpu.memory_space<vmem>>) target_semaphore(%run_scoped3A : memref<!tpu.dma_semaphore, #tpu.memory_space<semaphore_mem>>)
        %dma_wait3A_563 = arith.constant 0 : i32
        %dma_wait3A_564 = tpu.memref_slice %arg7[%dma_wait3A_563] : memref<512xf32, #tpu.memory_space<vmem>> -> memref<256xf32, #tpu.memory_space<vmem>>
        %dma_wait3A_565 = arith.constant 0 : i32
        %dma_wait3A_566 = tpu.memref_slice %arg7[%dma_wait3A_565] : memref<512xf32, #tpu.memory_space<vmem>> -> memref<256xf32, #tpu.memory_space<vmem>>
        tpu.wait_dma2 semaphore(%run_scoped3A : memref<!tpu.dma_semaphore, #tpu.memory_space<semaphore_mem>>) src(%arg12 : memref<256xf32, #tpu.memory_space<vmem_shared>>) dst(%dma_wait3A_566 : memref<256xf32, #tpu.memory_space<vmem>>)
        tpu.yield
      }) : () -> ()
      "tpu.region"() ({
        %run_scoped3A = tpu.sem_alloc : memref<!tpu.dma_semaphore, #tpu.memory_space<semaphore_mem>>
        %dma_start3A_559 = arith.constant 0 : i32
        %dma_start3A_560 = tpu.memref_slice %arg8[%dma_start3A_559] : memref<512xf32, #tpu.memory_space<vmem>> -> memref<256xf32, #tpu.memory_space<vmem>>
        %dma_start3A_561 = arith.constant 0 : i32
        %dma_start3A_562 = tpu.memref_slice %arg8[%dma_start3A_561] : memref<512xf32, #tpu.memory_space<vmem>> -> memref<256xf32, #tpu.memory_space<vmem>>
        tpu.enqueue_dma source(%arg13 : memref<256xf32, #tpu.memory_space<vmem_shared>>) target(%dma_start3A_562 : memref<256xf32, #tpu.memory_space<vmem>>) target_semaphore(%run_scoped3A : memref<!tpu.dma_semaphore, #tpu.memory_space<semaphore_mem>>)
        %dma_wait3A_563 = arith.constant 0 : i32
        %dma_wait3A_564 = tpu.memref_slice %arg8[%dma_wait3A_563] : memref<512xf32, #tpu.memory_space<vmem>> -> memref<256xf32, #tpu.memory_space<vmem>>
        %dma_wait3A_565 = arith.constant 0 : i32
        %dma_wait3A_566 = tpu.memref_slice %arg8[%dma_wait3A_565] : memref<512xf32, #tpu.memory_space<vmem>> -> memref<256xf32, #tpu.memory_space<vmem>>
        tpu.wait_dma2 semaphore(%run_scoped3A : memref<!tpu.dma_semaphore, #tpu.memory_space<semaphore_mem>>) src(%arg13 : memref<256xf32, #tpu.memory_space<vmem_shared>>) dst(%dma_wait3A_566 : memref<256xf32, #tpu.memory_space<vmem>>)
        tpu.yield
      }) : () -> ()
      %ge3A = arith.constant 1 : i32
      %ge3A_420 = vector.broadcast %ge3A : i32 to vector<16xi32>
      %ge3A_421 = arith.cmpi sge, %iota3A, %ge3A_420 : vector<16xi32>
      %lt3A = arith.constant 14 : i32
      %lt3A_422 = vector.broadcast %lt3A : i32 to vector<16xi32>
      %lt3A_423 = arith.cmpi slt, %iota3A, %lt3A_422 : vector<16xi32>
      %and3A = arith.andi %ge3A_421, %lt3A_423 : vector<16xi1>
      %get3A_424 = arith.constant 0 : index
      %get3A_425 = tpu.vector_load %arg7[%get3A_424] {strides = array<i32>} : memref<512xf32, #tpu.memory_space<vmem>>, vector<16xf32>,
      %get3A_426 = arith.constant 0 : index
      %get3A_427 = tpu.vector_load %arg8[%get3A_426] {strides = array<i32>} : memref<512xf32, #tpu.memory_space<vmem>>, vector<16xf32>,
      %get3A_428 = arith.constant 16 : index
      %get3A_429 = tpu.vector_load %arg7[%get3A_428] {strides = array<i32>} : memref<512xf32, #tpu.memory_space<vmem>>, vector<16xf32>,
      %add3A_430 = arith.addf %get3A_425, %get3A_429 : vector<16xf32>
      %get3A_431 = arith.constant 16 : index
      %get3A_432 = tpu.vector_load %arg8[%get3A_431] {strides = array<i32>} : memref<512xf32, #tpu.memory_space<vmem>>, vector<16xf32>,
      %add3A_433 = arith.addf %get3A_427, %get3A_432 : vector<16xf32>
      %get3A_434 = arith.constant 32 : index
      %get3A_435 = tpu.vector_load %arg7[%get3A_434] {strides = array<i32>} : memref<512xf32, #tpu.memory_space<vmem>>, vector<16xf32>,
      %add3A_436 = arith.addf %add3A_430, %get3A_435 : vector<16xf32>
      %get3A_437 = arith.constant 32 : index
      %get3A_438 = tpu.vector_load %arg8[%get3A_437] {strides = array<i32>} : memref<512xf32, #tpu.memory_space<vmem>>, vector<16xf32>,
      %add3A_439 = arith.addf %add3A_433, %get3A_438 : vector<16xf32>
      %get3A_440 = arith.constant 48 : index
      %get3A_441 = tpu.vector_load %arg7[%get3A_440] {strides = array<i32>} : memref<512xf32, #tpu.memory_space<vmem>>, vector<16xf32>,
      %add3A_442 = arith.addf %add3A_436, %get3A_441 : vector<16xf32>
      %get3A_443 = arith.constant 48 : index
      %get3A_444 = tpu.vector_load %arg8[%get3A_443] {strides = array<i32>} : memref<512xf32, #tpu.memory_space<vmem>>, vector<16xf32>,
      %add3A_445 = arith.addf %add3A_439, %get3A_444 : vector<16xf32>
      %get3A_446 = arith.constant 64 : index
      %get3A_447 = tpu.vector_load %arg7[%get3A_446] {strides = array<i32>} : memref<512xf32, #tpu.memory_space<vmem>>, vector<16xf32>,
      %add3A_448 = arith.addf %add3A_442, %get3A_447 : vector<16xf32>
      %get3A_449 = arith.constant 64 : index
      %get3A_450 = tpu.vector_load %arg8[%get3A_449] {strides = array<i32>} : memref<512xf32, #tpu.memory_space<vmem>>, vector<16xf32>,
      %add3A_451 = arith.addf %add3A_445, %get3A_450 : vector<16xf32>
      %get3A_452 = arith.constant 80 : index
      %get3A_453 = tpu.vector_load %arg7[%get3A_452] {strides = array<i32>} : memref<512xf32, #tpu.memory_space<vmem>>, vector<16xf32>,
      %add3A_454 = arith.addf %add3A_448, %get3A_453 : vector<16xf32>
      %get3A_455 = arith.constant 80 : index
      %get3A_456 = tpu.vector_load %arg8[%get3A_455] {strides = array<i32>} : memref<512xf32, #tpu.memory_space<vmem>>, vector<16xf32>,
      %add3A_457 = arith.addf %add3A_451, %get3A_456 : vector<16xf32>
      %get3A_458 = arith.constant 96 : index
      %get3A_459 = tpu.vector_load %arg7[%get3A_458] {strides = array<i32>} : memref<512xf32, #tpu.memory_space<vmem>>, vector<16xf32>,
      %add3A_460 = arith.addf %add3A_454, %get3A_459 : vector<16xf32>
      %get3A_461 = arith.constant 96 : index
      %get3A_462 = tpu.vector_load %arg8[%get3A_461] {strides = array<i32>} : memref<512xf32, #tpu.memory_space<vmem>>, vector<16xf32>,
      %add3A_463 = arith.addf %add3A_457, %get3A_462 : vector<16xf32>
      %get3A_464 = arith.constant 112 : index
      %get3A_465 = tpu.vector_load %arg7[%get3A_464] {strides = array<i32>} : memref<512xf32, #tpu.memory_space<vmem>>, vector<16xf32>,
      %add3A_466 = arith.addf %add3A_460, %get3A_465 : vector<16xf32>
      %get3A_467 = arith.constant 112 : index
      %get3A_468 = tpu.vector_load %arg8[%get3A_467] {strides = array<i32>} : memref<512xf32, #tpu.memory_space<vmem>>, vector<16xf32>,
      %add3A_469 = arith.addf %add3A_463, %get3A_468 : vector<16xf32>
      %gt3A = arith.constant 0.000000e+00 : f32
      %gt3A_470 = vector.broadcast %gt3A : f32 to vector<16xf32>
      %gt3A_471 = arith.cmpf ogt, %add3A_469, %gt3A_470 : vector<16xf32>
      %max3A = arith.constant 1.000000e+00 : f32
      %max3A_472 = vector.broadcast %max3A : f32 to vector<16xf32>
      %max3A_473 = arith.maximumf %add3A_469, %max3A_472 : vector<16xf32>
      %mul3A_474 = arith.constant 1.400000e+01 : f32
      %mul3A_475 = vector.broadcast %mul3A_474 : f32 to vector<16xf32>
      %mul3A_476 = arith.mulf %mul3A_475, %max3A_473 : vector<16xf32>
      %div3A = arith.divf %add3A_466, %mul3A_476 : vector<16xf32>
      %jit3A = arith.constant 0.000000e+00 : f32
      %broadcast_in_dim3A_477 = vector.broadcast %jit3A : f32 to vector<16xf32>
      %select_n3A = arith.select %gt3A_471, %div3A, %broadcast_in_dim3A_477 : vector<16xi1>, vector<16xf32>
      %jit3A_478 = arith.constant 0.000000e+00 : f32
      %broadcast_in_dim3A_479 = vector.broadcast %jit3A_478 : f32 to vector<16xf32>
      %select_n3A_480 = arith.select %and3A, %select_n3A, %broadcast_in_dim3A_479 : vector<16xi1>, vector<16xf32>
      %reduce_sum3A = arith.constant true
      %reduce_sum3A_481 = vector.broadcast %reduce_sum3A : i1 to vector<16xi1>
      %reduce_sum3A_482 = tpu.scan <sum>, %select_n3A_480 masked %reduce_sum3A_481 : vector<16xf32>, vector<16xi1> -> vector<16xf32>
      %reduce_sum3A_483 = vector.extract %reduce_sum3A_482[15] : f32 from vector<16xf32>
      %add3A_484 = arith.constant 0.000000e+00 : f32
      %add3A_485 = arith.addf %add3A_484, %reduce_sum3A_483 : f32
      %get3A_486 = arith.constant 128 : index
      %get3A_487 = tpu.vector_load %arg7[%get3A_486] {strides = array<i32>} : memref<512xf32, #tpu.memory_space<vmem>>, vector<16xf32>,
      %get3A_488 = arith.constant 128 : index
      %get3A_489 = tpu.vector_load %arg8[%get3A_488] {strides = array<i32>} : memref<512xf32, #tpu.memory_space<vmem>>, vector<16xf32>,
      %get3A_490 = arith.constant 144 : index
      %get3A_491 = tpu.vector_load %arg7[%get3A_490] {strides = array<i32>} : memref<512xf32, #tpu.memory_space<vmem>>, vector<16xf32>,
      %add3A_492 = arith.addf %get3A_487, %get3A_491 : vector<16xf32>
      %get3A_493 = arith.constant 144 : index
      %get3A_494 = tpu.vector_load %arg8[%get3A_493] {strides = array<i32>} : memref<512xf32, #tpu.memory_space<vmem>>, vector<16xf32>,
      %add3A_495 = arith.addf %get3A_489, %get3A_494 : vector<16xf32>
      %get3A_496 = arith.constant 160 : index
      %get3A_497 = tpu.vector_load %arg7[%get3A_496] {strides = array<i32>} : memref<512xf32, #tpu.memory_space<vmem>>, vector<16xf32>,
      %add3A_498 = arith.addf %add3A_492, %get3A_497 : vector<16xf32>
      %get3A_499 = arith.constant 160 : index
      %get3A_500 = tpu.vector_load %arg8[%get3A_499] {strides = array<i32>} : memref<512xf32, #tpu.memory_space<vmem>>, vector<16xf32>,
      %add3A_501 = arith.addf %add3A_495, %get3A_500 : vector<16xf32>
      %get3A_502 = arith.constant 176 : index
      %get3A_503 = tpu.vector_load %arg7[%get3A_502] {strides = array<i32>} : memref<512xf32, #tpu.memory_space<vmem>>, vector<16xf32>,
      %add3A_504 = arith.addf %add3A_498, %get3A_503 : vector<16xf32>
      %get3A_505 = arith.constant 176 : index
      %get3A_506 = tpu.vector_load %arg8[%get3A_505] {strides = array<i32>} : memref<512xf32, #tpu.memory_space<vmem>>, vector<16xf32>,
      %add3A_507 = arith.addf %add3A_501, %get3A_506 : vector<16xf32>
      %get3A_508 = arith.constant 192 : index
      %get3A_509 = tpu.vector_load %arg7[%get3A_508] {strides = array<i32>} : memref<512xf32, #tpu.memory_space<vmem>>, vector<16xf32>,
      %add3A_510 = arith.addf %add3A_504, %get3A_509 : vector<16xf32>
      %get3A_511 = arith.constant 192 : index
      %get3A_512 = tpu.vector_load %arg8[%get3A_511] {strides = array<i32>} : memref<512xf32, #tpu.memory_space<vmem>>, vector<16xf32>,
      %add3A_513 = arith.addf %add3A_507, %get3A_512 : vector<16xf32>
      %get3A_514 = arith.constant 208 : index
      %get3A_515 = tpu.vector_load %arg7[%get3A_514] {strides = array<i32>} : memref<512xf32, #tpu.memory_space<vmem>>, vector<16xf32>,
      %add3A_516 = arith.addf %add3A_510, %get3A_515 : vector<16xf32>
      %get3A_517 = arith.constant 208 : index
      %get3A_518 = tpu.vector_load %arg8[%get3A_517] {strides = array<i32>} : memref<512xf32, #tpu.memory_space<vmem>>, vector<16xf32>,
      %add3A_519 = arith.addf %add3A_513, %get3A_518 : vector<16xf32>
      %get3A_520 = arith.constant 224 : index
      %get3A_521 = tpu.vector_load %arg7[%get3A_520] {strides = array<i32>} : memref<512xf32, #tpu.memory_space<vmem>>, vector<16xf32>,
      %add3A_522 = arith.addf %add3A_516, %get3A_521 : vector<16xf32>
      %get3A_523 = arith.constant 224 : index
      %get3A_524 = tpu.vector_load %arg8[%get3A_523] {strides = array<i32>} : memref<512xf32, #tpu.memory_space<vmem>>, vector<16xf32>,
      %add3A_525 = arith.addf %add3A_519, %get3A_524 : vector<16xf32>
      %get3A_526 = arith.constant 240 : index
      %get3A_527 = tpu.vector_load %arg7[%get3A_526] {strides = array<i32>} : memref<512xf32, #tpu.memory_space<vmem>>, vector<16xf32>,
      %add3A_528 = arith.addf %add3A_522, %get3A_527 : vector<16xf32>
      %get3A_529 = arith.constant 240 : index
      %get3A_530 = tpu.vector_load %arg8[%get3A_529] {strides = array<i32>} : memref<512xf32, #tpu.memory_space<vmem>>, vector<16xf32>,
      %add3A_531 = arith.addf %add3A_525, %get3A_530 : vector<16xf32>
      %gt3A_532 = arith.constant 0.000000e+00 : f32
      %gt3A_533 = vector.broadcast %gt3A_532 : f32 to vector<16xf32>
      %gt3A_534 = arith.cmpf ogt, %add3A_531, %gt3A_533 : vector<16xf32>
      %max3A_535 = arith.constant 1.000000e+00 : f32
      %max3A_536 = vector.broadcast %max3A_535 : f32 to vector<16xf32>
      %max3A_537 = arith.maximumf %add3A_531, %max3A_536 : vector<16xf32>
      %mul3A_538 = arith.constant 1.400000e+01 : f32
      %mul3A_539 = vector.broadcast %mul3A_538 : f32 to vector<16xf32>
      %mul3A_540 = arith.mulf %mul3A_539, %max3A_537 : vector<16xf32>
      %div3A_541 = arith.divf %add3A_528, %mul3A_540 : vector<16xf32>
      %jit3A_542 = arith.constant 0.000000e+00 : f32
      %broadcast_in_dim3A_543 = vector.broadcast %jit3A_542 : f32 to vector<16xf32>
      %select_n3A_544 = arith.select %gt3A_534, %div3A_541, %broadcast_in_dim3A_543 : vector<16xi1>, vector<16xf32>
      %jit3A_545 = arith.constant 0.000000e+00 : f32
      %broadcast_in_dim3A_546 = vector.broadcast %jit3A_545 : f32 to vector<16xf32>
      %select_n3A_547 = arith.select %and3A, %select_n3A_544, %broadcast_in_dim3A_546 : vector<16xi1>, vector<16xf32>
      %reduce_sum3A_548 = arith.constant true
      %reduce_sum3A_549 = vector.broadcast %reduce_sum3A_548 : i1 to vector<16xi1>
      %reduce_sum3A_550 = tpu.scan <sum>, %select_n3A_547 masked %reduce_sum3A_549 : vector<16xf32>, vector<16xi1> -> vector<16xf32>
      %reduce_sum3A_551 = vector.extract %reduce_sum3A_550[15] : f32 from vector<16xf32>
      %add3A_552 = arith.addf %add3A_485, %reduce_sum3A_551 : f32
      %mul3A_553 = vector.broadcast %add3A_552 : f32 to vector<16xf32>
      %mul3A_554 = arith.mulf %broadcast_in_dim3A_5, %mul3A_553 : vector<16xf32>
      %swap3A_555 = arith.constant 0 : index
      %swap3A_556 = tpu.vector_load %arg11[%swap3A_555] {strides = array<i32>} : memref<16xf32, #tpu.memory_space<vmem>>, vector<16xf32>,
      tpu.vector_store %arg11[%swap3A_555], %mul3A_554 {strides = array<i32>} : memref<16xf32, #tpu.memory_space<vmem>>, vector<16xf32>,
      %mul3A_557 = arith.constant 16 : i32
      %mul3A_558 = arith.muli %arg0, %mul3A_557 : i32
      "tpu.region"() ({
        %run_scoped3A = tpu.sem_alloc : memref<!tpu.dma_semaphore, #tpu.memory_space<semaphore_mem>>
        %dma_start3A_559 = tpu.memref_slice %arg4[%mul3A_558] : memref<32xf32, #tpu.memory_space<hbm>> -> memref<16xf32, #tpu.memory_space<hbm>>
        %dma_start3A_560 = tpu.memref_slice %arg4[%mul3A_558] : memref<32xf32, #tpu.memory_space<hbm>> -> memref<16xf32, #tpu.memory_space<hbm>>
        tpu.enqueue_dma source(%arg11 : memref<16xf32, #tpu.memory_space<vmem>>) target(%dma_start3A_560 : memref<16xf32, #tpu.memory_space<hbm>>) target_semaphore(%run_scoped3A : memref<!tpu.dma_semaphore, #tpu.memory_space<semaphore_mem>>)
        %dma_wait3A_561 = tpu.memref_slice %arg4[%mul3A_558] : memref<32xf32, #tpu.memory_space<hbm>> -> memref<16xf32, #tpu.memory_space<hbm>>
        %dma_wait3A_562 = tpu.memref_slice %arg4[%mul3A_558] : memref<32xf32, #tpu.memory_space<hbm>> -> memref<16xf32, #tpu.memory_space<hbm>>
        tpu.wait_dma2 semaphore(%run_scoped3A : memref<!tpu.dma_semaphore, #tpu.memory_space<semaphore_mem>>) src(%arg11 : memref<16xf32, #tpu.memory_space<vmem>>) dst(%dma_wait3A_562 : memref<16xf32, #tpu.memory_space<hbm>>)
        tpu.yield
      }) : () -> ()
    } else {
    }
    return
  }
}

module attributes {stable_mosaic.version = 14 : i64} {
  func.func @_kl_body(%arg0: i32, %arg1: i32, %arg2: memref<1x14x128x512xf32, #tpu.memory_space<vmem>>, %arg3: memref<1x14x128x512xf32, #tpu.memory_space<vmem>>, %arg4: memref<1x1x128x512xi32, #tpu.memory_space<vmem>>, %arg5: memref<512x128xf32, #tpu.memory_space<vmem>>, %arg6: memref<512x128xi32, #tpu.memory_space<vmem>>) attributes {dimension_semantics = [#tpu.dimension_semantics<arbitrary>, #tpu.dimension_semantics<arbitrary>], iteration_bounds = array<i64: 4, 4>, scalar_prefetch = 0 : i64, scratch_operands = 0 : i64, tpu.core_type = #tpu.core_type<tc>, window_params = [{transform_indices = @transform_0, window_bounds = array<i64: 1, 14, 128, 512>}, {transform_indices = @transform_1, window_bounds = array<i64: 1, 14, 128, 512>}, {transform_indices = @transform_2, window_bounds = array<i64: 1, 1, 128, 512>}, {transform_indices = @transform_3, window_bounds = array<i64: 512, 128>}, {transform_indices = @transform_4, window_bounds = array<i64: 512, 128>}]} {
    %get3A = arith.constant 0 : index
    %get3A_0 = arith.constant 0 : index
    %get3A_1 = arith.constant 0 : index
    %get3A_2 = arith.constant 0 : index
    %get3A_3 = vector.load %arg2[%get3A, %get3A_0, %get3A_1, %get3A_2] : memref<1x14x128x512xf32, #tpu.memory_space<vmem>>, vector<1x14x128x512xf32>
    %get3A_4 = vector.shape_cast %get3A_3 : vector<1x14x128x512xf32> to vector<14x128x512xf32>
    %get3A_5 = arith.constant 0 : index
    %get3A_6 = arith.constant 0 : index
    %get3A_7 = arith.constant 0 : index
    %get3A_8 = arith.constant 0 : index
    %get3A_9 = vector.load %arg3[%get3A_5, %get3A_6, %get3A_7, %get3A_8] : memref<1x14x128x512xf32, #tpu.memory_space<vmem>>, vector<1x14x128x512xf32>
    %get3A_10 = vector.shape_cast %get3A_9 : vector<1x14x128x512xf32> to vector<14x128x512xf32>
    %reduce_max3A = arith.constant dense<0xFF800000> : vector<128x512xf32>
    %reduce_max3A_11 = vector.multi_reduction <maximumf>, %get3A_4, %reduce_max3A [0] : vector<14x128x512xf32> to vector<128x512xf32>
    %reduce_max3A_12 = arith.constant dense<0xFF800000> : vector<128x512xf32>
    %reduce_max3A_13 = vector.multi_reduction <maximumf>, %get3A_10, %reduce_max3A_12 [0] : vector<14x128x512xf32> to vector<128x512xf32>
    %broadcast_in_dim3A = vector.shape_cast %reduce_max3A_11 : vector<128x512xf32> to vector<1x128x512xf32>
    %sub3A = vector.broadcast %broadcast_in_dim3A : vector<1x128x512xf32> to vector<14x128x512xf32>
    %sub3A_14 = arith.subf %get3A_4, %sub3A : vector<14x128x512xf32>
    %exp3A = math.exp %sub3A_14 : vector<14x128x512xf32>
    %broadcast_in_dim3A_15 = vector.shape_cast %reduce_max3A_13 : vector<128x512xf32> to vector<1x128x512xf32>
    %sub3A_16 = vector.broadcast %broadcast_in_dim3A_15 : vector<1x128x512xf32> to vector<14x128x512xf32>
    %sub3A_17 = arith.subf %get3A_10, %sub3A_16 : vector<14x128x512xf32>
    %exp3A_18 = math.exp %sub3A_17 : vector<14x128x512xf32>
    %reduce_sum3A = arith.constant dense<0.000000e+00> : vector<128x512xf32>
    %reduce_sum3A_19 = vector.multi_reduction <add>, %exp3A, %reduce_sum3A [0] : vector<14x128x512xf32> to vector<128x512xf32>
    %reduce_sum3A_20 = arith.constant dense<0.000000e+00> : vector<128x512xf32>
    %reduce_sum3A_21 = vector.multi_reduction <add>, %exp3A_18, %reduce_sum3A_20 [0] : vector<14x128x512xf32> to vector<128x512xf32>
    %sub3A_22 = arith.subf %get3A_10, %get3A_4 : vector<14x128x512xf32>
    %mul3A = arith.mulf %exp3A_18, %sub3A_22 : vector<14x128x512xf32>
    %reduce_sum3A_23 = arith.constant dense<0.000000e+00> : vector<128x512xf32>
    %reduce_sum3A_24 = vector.multi_reduction <add>, %mul3A, %reduce_sum3A_23 [0] : vector<14x128x512xf32> to vector<128x512xf32>
    %div3A = arith.divf %reduce_sum3A_24, %reduce_sum3A_21 : vector<128x512xf32>
    %sub3A_25 = arith.subf %reduce_max3A_11, %reduce_max3A_13 : vector<128x512xf32>
    %add3A = arith.addf %div3A, %sub3A_25 : vector<128x512xf32>
    %log3A = math.log %reduce_sum3A_19 : vector<128x512xf32>
    %add3A_26 = arith.addf %add3A, %log3A : vector<128x512xf32>
    %log3A_27 = math.log %reduce_sum3A_21 : vector<128x512xf32>
    %sub3A_28 = arith.subf %add3A_26, %log3A_27 : vector<128x512xf32>
    %reshape3A = vector.shape_cast %sub3A_28 : vector<128x512xf32> to vector<512x128xf32>
    %swap3A = arith.constant 0 : index
    %swap3A_29 = arith.constant 0 : index
    %swap3A_30 = vector.load %arg5[%swap3A, %swap3A_29] : memref<512x128xf32, #tpu.memory_space<vmem>>, vector<512x128xf32>
    tpu.vector_store %arg5[%swap3A, %swap3A_29], %reshape3A {strides = array<i32>} : memref<512x128xf32, #tpu.memory_space<vmem>>, vector<512x128xf32>,
    %get3A_31 = arith.constant 0 : index
    %get3A_32 = arith.constant 0 : index
    %get3A_33 = arith.constant 0 : index
    %get3A_34 = arith.constant 0 : index
    %get3A_35 = vector.load %arg4[%get3A_31, %get3A_32, %get3A_33, %get3A_34] : memref<1x1x128x512xi32, #tpu.memory_space<vmem>>, vector<1x1x128x512xi32>
    %get3A_36 = vector.shape_cast %get3A_35 : vector<1x1x128x512xi32> to vector<128x512xi32>
    %reshape3A_37 = vector.shape_cast %get3A_36 : vector<128x512xi32> to vector<512x128xi32>
    %swap3A_38 = arith.constant 0 : index
    %swap3A_39 = arith.constant 0 : index
    %swap3A_40 = vector.load %arg6[%swap3A_38, %swap3A_39] : memref<512x128xi32, #tpu.memory_space<vmem>>, vector<512x128xi32>
    tpu.vector_store %arg6[%swap3A_38, %swap3A_39], %reshape3A_37 {strides = array<i32>} : memref<512x128xi32, #tpu.memory_space<vmem>>, vector<512x128xi32>,
    return
  }
  func.func @transform_0(%arg0: i32, %arg1: i32) -> (i32, i32, i32, i32) {
    %c0_i32 = arith.constant 0 : i32
    %c0_i32_0 = arith.constant 0 : i32
    %c0_i32_1 = arith.constant 0 : i32
    return %arg0, %c0_i32, %arg1, %c0_i32_0 : i32, i32, i32, i32
  }
  func.func @transform_1(%arg0: i32, %arg1: i32) -> (i32, i32, i32, i32) {
    %c0_i32 = arith.constant 0 : i32
    %c0_i32_0 = arith.constant 0 : i32
    %c0_i32_1 = arith.constant 0 : i32
    return %arg0, %c0_i32, %arg1, %c0_i32_0 : i32, i32, i32, i32
  }
  func.func @transform_2(%arg0: i32, %arg1: i32) -> (i32, i32, i32, i32) {
    %c0_i32 = arith.constant 0 : i32
    %c0_i32_0 = arith.constant 0 : i32
    %c0_i32_1 = arith.constant 0 : i32
    return %arg0, %c0_i32, %arg1, %c0_i32_0 : i32, i32, i32, i32
  }
  func.func @transform_3(%arg0: i32, %arg1: i32) -> (i32, i32) {
    %mul3A = arith.constant 4 : i32
    %mul3A_0 = arith.muli %arg0, %mul3A : i32
    %add3A = arith.addi %mul3A_0, %arg1 : i32
    %c0_i32 = arith.constant 0 : i32
    %c0_i32_1 = arith.constant 0 : i32
    return %add3A, %c0_i32 : i32, i32
  }
  func.func @transform_4(%arg0: i32, %arg1: i32) -> (i32, i32) {
    %mul3A = arith.constant 4 : i32
    %mul3A_0 = arith.muli %arg0, %mul3A : i32
    %add3A = arith.addi %mul3A_0, %arg1 : i32
    %c0_i32 = arith.constant 0 : i32
    %c0_i32_1 = arith.constant 0 : i32
    return %add3A, %c0_i32 : i32, i32
  }
}

</mosaic_0001>

<sc_bundles>
// kernel: kernel.4.cloned.1.call-start
scs
__scs_entry_jumppad:
0x0: {  	(pc) =	sbr.rel $0x88, $3  }
0x1: {  	(tag) =	ssettag $0x0;
	lr =	simm.s32 $0x1  }
0x2: {  	[smem:$0x3F9E] =	sst lr;
	_ =	strace $0xD0000000  }
0x3: {  	_ = 	snop  }
0x4: {  	_ = 	snop  }
0x5: {  	_ = 	snop  }
0x6: {  	_ = 	snop  }
0x7: {  	_ = 	snop  }
__scs_overlays_trampoline_lowered:
0x8: {  	[smem:$0x3FAD] =	sst s0  }
0x9: {  	[smem:$0x3FAE] =	sst s1  }
0xa: {  	[smem:$0x3FAF] =	sst s2  }
0xb: {  	[smem:$0x3FB0] =	sst s3  }
0xc: {  	[smem:$0x3FB1] =	sst s4  }
0xd: {  	[smem:$0x3FB2] =	sst s5  }
0xe: {  	[smem:$0x3FB3] =	sst s6  }
0xf: {  	[smem:$0x3FB4] =	sst s7  }
0x10: {  	[smem:$0x3FB5] =	sst s8  }
0x11: {  	[smem:$0x3FB6] =	sst s9;
	s0 =	simm.s32 @!p0 $0x0  }
0x12: {  	s1 =	sld [smem:$0x3F9C];
	s0 =	simm.s32 @p0 $0x1  }
0x13: {  	[smem:$0x3FB7] =	sst s0;
	s0 =	simm.s32 @!p1 $0x0  }
0x14: {  	s2 =	sld [smem:$0x3F9B];
	s0 =	simm.s32 @p1 $0x1  }
0x15: {  	[smem:$0x3FB8] =	sst s0;
	s0 =	simm.s32 @!p2 $0x0  }
0x16: {  	s3 =	sld [smem:$0x3FDB];
	s0 =	simm.s32 @p2 $0x1  }
0x17: {  	s4 =	simm.s32 $0x1BF5;
	[smem:$0x3FBA] =	sst s0  }
0x18: {  	s0 =	sld [smem:$0x3F9D];
	_ =	swait.ge [sflag:s4], $0x0  }
0x19: {  	s7 =	sld [smem:$0x3F9E]  }
0x1a: {  	s8 =	sadd.s32 $0xFFFFE003, lr  }
0x1b: {  	s9 =	sadd.s32 $0xFFFFFEF7, lr;
	s5 =	simm.s32 $0xFFFFFFFF;
	p2 =	slt.u32 s8, $0xFFFFF086  }
0x1c: {  	p1 =	slt.u32 s9, $0xF7A;
	s5 =	simm.s32 @!p2 $0x0  }
0x1d: {  	s5 =	simm.s32 @p1 $0x1;
	p0 =	seq.s32 s7, s2  }
0x1e: {  	s7 =	smul.u32 @!p0 $0xF7A, s2;
	p2 =	seq.s32 @!p0 s5, $0x0  }
0x1f: {  	s9 =	smul.u32 $0xF7A, s1;
	s8 =	simm.s32 @!p0 $0x1BF5;
	p2 =	por !p2, p0  }
0x20: {  	[sflag:s8] =	ssyncset.s32 @!p0 $0xFFFFF086;
	s6 =	sadd.s32 @!p0 s3, s7;
	s7 =	simm.s32 @!p0 $0x108  }
0x21: {  	s3 =	sadd.s32 s3, s9;
	s6 =	sadd.s32 @!p0 $0x88, s6;
	s7 =	simm.s32 @p2 $0x1082  }
0x22: {  	[simem:s7], [sflag:s8] =	dma.local @!p0 [hbm:s6], $0xF7A  }
0x23: {  	s9 =	sor.u32 $0xD0000000, s2;
	s6 =	simm.s32 $0x108;
	_ =	swait.ge @!p0 [sflag:s8], $0x0  }
0x24: {  	s3 =	sadd.s32 $0x88, s3;
	s6 =	simm.s32 @!p1 $0x1082;
	[sflag:s4] =	ssyncset.s32 $0xFFFFF086  }
0x25: {  	[simem:s6], [sflag:s4] =	dma.local [hbm:s3], $0xF7A  }
0x26: {  	[smem:$0x3F9E] =	sst s1;
	(tag) =	ssettag s2;
	_ =	strace s9  }
0x27: {  	s1 =	sld [smem:$0x3FAE]  }
0x28: {  	s2 =	sld [smem:$0x3FAF]  }
0x29: {  	s4 =	sld [smem:$0x3FB1]  }
0x2a: {  	p0 =	seq.s32 s5, $0x0;
	s5 =	sld [smem:$0x3FB2]  }
0x2b: {  	s6 =	sld [smem:$0x3FB3]  }
0x2c: {  	s7 =	sld [smem:$0x3FB4]  }
0x2d: {  	s3 =	simm.s32 $0x108;
	s8 =	sld [smem:$0x3FB5]  }
0x2e: {  	s3 =	simm.s32 @!p0 $0x1082;
	s9 =	sld [smem:$0x3FB6]  }
0x2f: {  	lr =	sadd.s32 s0, s3;
	s0 =	sld [smem:$0x3FAD]  }
0x30: {  	s3 =	sld [smem:$0x3FB0]  }
0x31: {  	[smem:$0x3FB9] =	sst s10  }
0x32: {  	s10 =	sld [smem:$0x3FB7];
	_ =	sdelay $0x3  }
0x33: {  	p0 =	seq.s32 s10, $0x1;
	s10 =	sld [smem:$0x3FB9];
	_ =	sdelay $0x3  }
0x34: {  	[smem:$0x3FB9] =	sst s10  }
0x35: {  	s10 =	sld [smem:$0x3FB8];
	_ =	sdelay $0x3  }
0x36: {  	p1 =	seq.s32 s10, $0x1;
	s10 =	sld [smem:$0x3FB9];
	_ =	sdelay $0x3  }
0x37: {  	[smem:$0x3FB9] =	sst s10  }
0x38: {  	s10 =	sld [smem:$0x3FBA]  }
0x39: {  	_ = 	snop;
	(pc) =	sbr.ind lr, $3  }
0x3a: {  	_ = 	snop  }
0x3b: {  	_ = 	snop  }
0x3c: {  	p2 =	seq.s32 s10, $0x1;
	s10 =	sld [smem:$0x3FB9]  }
0x3d: {  	_ =	shalt  }
0x3e: {  	_ =	shalt  }
0x3f: {  	_ =	shalt  }
0x40: {  	_ =	shalt  }
0x41: {  	_ =	shalt  }
0x42: {  	_ =	shalt  }
0x43: {  	_ =	shalt  }
0x44: {  	_ =	shalt  }
0x45: {  	_ =	shalt  }
0x46: {  	_ =	shalt  }
0x47: {  	_ =	shalt  }
0x48: {  	_ =	shalt  }
0x49: {  	_ =	shalt  }
0x4a: {  	_ =	shalt  }
0x4b: {  	_ =	shalt  }
0x4c: {  	_ =	shalt  }
0x4d: {  	_ =	shalt  }
0x4e: {  	_ =	shalt  }
0x4f: {  	_ =	shalt  }
0x50: {  	_ =	shalt  }
0x51: {  	_ =	shalt  }
0x52: {  	_ =	shalt  }
0x53: {  	_ =	shalt  }
0x54: {  	_ =	shalt  }
0x55: {  	_ =	shalt  }
0x56: {  	_ =	shalt  }
0x57: {  	_ =	shalt  }
0x58: {  	_ =	shalt  }
0x59: {  	_ =	shalt  }
0x5a: {  	_ =	shalt  }
0x5b: {  	_ =	shalt  }
0x5c: {  	_ =	shalt  }
0x5d: {  	_ =	shalt  }
0x5e: {  	_ =	shalt  }
0x5f: {  	_ =	shalt  }
0x60: {  	_ =	shalt  }
0x61: {  	_ =	shalt  }
0x62: {  	_ =	shalt  }
0x63: {  	_ =	shalt  }
0x64: {  	_ =	shalt  }
0x65: {  	_ =	shalt  }
0x66: {  	_ =	shalt  }
0x67: {  	_ =	shalt  }
0x68: {  	_ =	shalt  }
0x69: {  	_ =	shalt  }
0x6a: {  	_ =	shalt  }
0x6b: {  	_ =	shalt  }
0x6c: {  	_ =	shalt  }
0x6d: {  	_ =	shalt  }
0x6e: {  	_ =	shalt  }
0x6f: {  	_ =	shalt  }
0x70: {  	_ =	shalt  }
0x71: {  	_ =	shalt  }
0x72: {  	_ =	shalt  }
0x73: {  	_ =	shalt  }
0x74: {  	_ =	shalt  }
0x75: {  	_ =	shalt  }
0x76: {  	_ =	shalt  }
0x77: {  	_ =	shalt  }
0x78: {  	_ =	shalt  }
0x79: {  	_ =	shalt  }
0x7a: {  	_ =	shalt  }
0x7b: {  	_ =	shalt  }
0x7c: {  	_ =	shalt  }
0x7d: {  	_ =	shalt  }
0x7e: {  	_ =	shalt  }
0x7f: {  	_ =	shalt  }
0x80: {  	_ =	shalt  }
0x81: {  	_ =	shalt  }
0x82: {  	_ =	shalt  }
0x83: {  	_ =	shalt  }
0x84: {  	_ =	shalt  }
0x85: {  	_ =	shalt  }
0x86: {  	_ =	shalt  }
0x87: {  	_ =	shalt  }
.Lfunc_end0:
.L_simem_size_0:
called_computation_lowered:
.L_overlay_start_0:
0x88: {  	s2 =	sld [smem:$0x3FD9]  }
0x89: {  	s3 =	sld [smem:$0x3FFE];
	_ =	sdelay $0x1  }
0x8a: {  	s1 =	srdreg.scid  }
0x8b: {  	s0 =	sand.u32 $0x1, s1  }
0x8c: {  	s16 =	sshll.u32 s0, $0xA;
	s2 =	sadd.s32 s3, s2  }
0x8d: {  	s2 =	sadd.s32 s2, s16  }
0x8e: {  	[smem:$0x3FC5] =	sst s2  }
0x8f: {  	_ = 	snop  }
0x90: {  	(tm) =	ssettm $0x1  }
0x91: {  	s17 =	sld [smem:$0x3FFB];
	_ =	sdelay $0x3  }
0x92: {  	_ =	strace s17  }
0x93: {  	s2 =	sld [smem:$0x3FFC];
	_ =	sdelay $0x3  }
0x94: {  	_ =	strace s2  }
0x95: {  	s2 =	sld [smem:$0x3FFD];
	_ =	sdelay $0x3  }
0x96: {  	_ =	strace s2  }
0x97: {  	_ =	strace $0x8FFFFFFF  }
0x98: {  	s18 =	sld [smem:$0x3FDB];
	_ =	sdelay $0x1  }
0x99: {  	s19 =	simm.s32 $_scs_section_size  }
0x9a: {  	s4 =	simm.s32 $_size__tile_overlayer_lowered;
	s5 =	simm.s32 $_tile_overlayer_lowered  }
0x9b: {  	s22 =	simm.s32 $0x1BFF;
	s21 =	sshll.u32 s5, $0x1;
	s2 =	sadd.s32 s19, s18  }
0x9c: {  	s6 =	simm.s32 $0x0;
	s20 =	sshll.u32 s4, $0x1;
	s4 =	sadd.s32 s21, s2  }
0x9d: {  	[timem:s6], [sflag:s22] =	dma.local [hbm:s4], s20  }
0x9e: {  	_ =	swait.ge [sflag:s22], s20  }
0x9f: {  	s3 =	ssub.s32 $0x0, s20;
	[sflag:s22] =	ssyncset.done $0x0  }
0xa0: {  	[sflag:s22] =	ssyncadd.s32 s3;
	_ =	sdelay $0x1  }
0xa1: {  	s23 =	simm.s32 $0x1B8B  }
0xa2: {  	_ =	swait.ge [sflag:s23], $0x1  }
0xa3: {  	[sflag:s23] =	ssyncset.done $0x0  }
0xa4: {  	s25 =	simm.s32 $0x1B8E;
	s24 =	sld [smem:$0x3FFE];
	[sflag:s23] =	ssyncadd.s32 $0xFFFFFFFF  }
0xa5: {  	s26 =	simm.s32 $execute0_lowered;
	[smem:$0x3FD2] =	sst s25  }
0xa6: {  	s4 =	sshll.u32 s26, $0x1;
	_ =	strace $0x80000046;
	[dreg:$0x1] =	wrdreg $0xFFFFFFFF  }
0xa7: {  	s28 =	simm.s32 $_size_execute0_lowered;
	s2 =	sadd.s32 s2, s4;
	[dreg:$0x0] =	wrdreg $0x0  }
0xa8: {  	s4 =	sshll.u32 s28, $0x1;
	[dreg:$0x2] =	wrdreg s2  }
0xa9: {  	[dreg:$0x3] =	wrdreg s4  }
0xaa: {  	[dreg:$0x4] =	wrdreg $0xC0  }
0xab: {  	_ =	task [dreg:s6], $0x5FFFF  }
0xac: {  	[dreg:$0x1] =	wrdreg $0xFFFFFFFF  }
0xad: {  	[dreg:$0x0] =	wrdreg $0x60  }
0xae: {  	[dreg:$0x2] =	wrdreg s24  }
0xaf: {  	[dreg:$0x3] =	wrdreg $0x105800  }
0xb0: {  	[dreg:$0x4] =	wrdreg $0x105900  }
0xb1: {  	[dreg:$0x5] =	wrdreg $0x9  }
0xb2: {  	_ =	task.clear_ibuf [dreg:s6], $0x6FFFF;
	_ =	strace $0x90000046  }
0xb3: {  	s29 =	simm.s32 $0x9;
	_ =	strace $0x80000048  }
0xb4: {  	_ =	swait.ge [sflag:s29], $0x1  }
0xb5: {  	[sflag:s29] =	ssyncadd.s32 $0xFFFFFFFF  }
0xb6: {  	_ =	strace $0x90000048  }
0xb7: {  	_ =	sfence  }
0xb8: {  	s30 =	sld [smem:$0x0];
	_ =	sdelay $0x2  }
0xb9: {  	s31 =	sshll.u32 s1, $0xD;
	s1 =	sshrl.u32 s1, $0x2  }
0xba: {  	s3 =	sand.u32 $0x4000, s31;
	s1 =	sadd.s32 s1, s30  }
0xbb: {  	s0 =	sor.u32 s3, s0;
	s1 =	sshll.u32 s1, $0x11  }
0xbc: {  	s0 =	sor.u32 s1, s0  }
0xbd: {  	s0 =	sadd.s32 $0x8F2B, s0  }
0xbe: {  	[sflag:s0] =	ssyncadd.remote.s32 $0x1  }
0xbf: {  	_ =	sfence.sel $0xFFFF  }
0xc0: {  	[dreg:$0x0] =	wrdreg $0xFFFFFFFF;
	(pc) =	sbr.abs _section_cstart, $3  }
0xc1: {  	[dreg:$0x1] =	wrdreg $0xFFFFFFFF  }
0xc2: {  	_ =	task.clear_ibuf [dreg:s6], $0x2FFFF;
	_ =	strace $0x9FFFFFFF  }
0xc3: {  	(tm) =	ssettm $0x7FFFFFFF  }
tec
execute0_lowered:
.L_overlay_start_1:
0x0: {  	(tag) =	ssettag $0x1  }
0x1: {  	s4 =	rddreg [dreg:$0x0]  }
0x2: {  	s1 =	rddreg [dreg:$0x1]  }
0x3: {  	s2 =	rddreg [dreg:$0x2]  }
0x4: {  	s0 =	rddreg [dreg:$0x3];
	s3 =	simm.s32 $0x0  }
0x5: {  	s5 =	srdreg.scid;
	s16 =	stileid.u32;
	s13 =	simm.s32 $0x10000  }
0x6: {  	s14 =	simm.s32 $0x10200;
	s15 =	simm.s32 $0x2;
	s17 =	simm.s32 $0x3  }
0x7: {  	s18 =	simm.s32 $0x10480;
	s19 =	simm.s32 $0x10500;
	s20 =	simm.s32 $0x0  }
0x8: {  	[smem:$0x7FF] =	sst s3;
	s6 =	sadd.s32 $0xE00, s4;
	s5 =	sand.u32 $0x1, s5  }
0x9: {  	s7 =	sadd.s32 $0x20E00, s4;
	s10 =	sshll.u32 s16, $0xC;
	s31 =	sshll.u32 s16, $0x4  }
0xa: {  	p0 =	sne.s32 s16, $0x0;
	s16 =	simm.s32 $0x10400;
	_ =	strace $0x80000047  }
0xb: {  	s8 =	sshll.u32 s5, $0x1;
	s9 =	ssub.s32 $0x2, s5;
	s5 =	sshll.u32 s5, $0x10  }
.Ltmp0:
0xc: {  	s11 =	sadd.s32 s8, s4;
	s29 =	sshrl.u32 s9, $0x1;
	(pc) =	sbr.rel .LBB2_1-.Ltmp0, $4  }
0xd: {  	v0 =	vlaneseq.u32;
	s5 =	sor.u32 s10, s5;
	s8 =	sadd.s32 s31, s1;
	s12 =	ssub.s32 s9, s29  }
0xe: {  	v0 =	vmul.u32 $0x10, v0;
	s4 =	sadd.s32 s6, s5;
	s30 =	sor.u32 $0x800, s5;
	s5 =	sadd.s32 s7, s5  }
0xf: {  	v1 =	vimm.f32 $0.0e+00;
	s9 =	sadd.s32 s31, s2;
	s10 =	sadd.s32 $0x40E00, s11;
	s6 =	sadd.s32 s6, s30  }
0x10: {  	v2 =	vimm.f32 $1.000000000e+00;
	vm0 =	vcmask $0x338;
	v3 =	vor.u32 $0x100, v0;
	s7 =	sadd.s32 s7, s30;
	s11 =	smax.u32 s12, $0x1;
	s12 =	simm.s32 $0x1  }
.LBB2_15:
0x11: {  	s20 =	sadd.s32 $0x1, s20  }
0x12: {  	p1 =	sne.s32 s20, s11  }
.Ltmp1:
0x13: {  	_ = 	snop;
	(pc) =	sbr.rel @!p1 .LBB2_16-.Ltmp1, $1  }
0x14: {  	_ =	sdelay $0x3  }
.LBB2_1:
0x15: {  	[tilespmem:$0x10000] =	vst v1  }
0x16: {  	[tilespmem:$0x10200] =	vst v1  }
0x17: {  	[tilespmem:$0x10010] =	vst v1  }
0x18: {  	[tilespmem:$0x10210] =	vst v1  }
0x19: {  	[tilespmem:$0x10020] =	vst v1  }
0x1a: {  	[tilespmem:$0x10220] =	vst v1  }
0x1b: {  	[tilespmem:$0x10030] =	vst v1  }
0x1c: {  	[tilespmem:$0x10230] =	vst v1  }
0x1d: {  	[tilespmem:$0x10040] =	vst v1  }
0x1e: {  	[tilespmem:$0x10240] =	vst v1  }
0x1f: {  	[tilespmem:$0x10050] =	vst v1  }
0x20: {  	[tilespmem:$0x10250] =	vst v1  }
0x21: {  	[tilespmem:$0x10060] =	vst v1  }
0x22: {  	[tilespmem:$0x10260] =	vst v1  }
0x23: {  	[tilespmem:$0x10070] =	vst v1  }
0x24: {  	[tilespmem:$0x10270] =	vst v1  }
0x25: {  	[tilespmem:$0x10080] =	vst v1  }
0x26: {  	[tilespmem:$0x10280] =	vst v1  }
0x27: {  	[tilespmem:$0x10090] =	vst v1  }
0x28: {  	[tilespmem:$0x10290] =	vst v1  }
0x29: {  	[tilespmem:$0x100A0] =	vst v1  }
0x2a: {  	[tilespmem:$0x102A0] =	vst v1  }
0x2b: {  	[tilespmem:$0x100B0] =	vst v1  }
0x2c: {  	[tilespmem:$0x102B0] =	vst v1  }
0x2d: {  	[tilespmem:$0x100C0] =	vst v1  }
0x2e: {  	[tilespmem:$0x102C0] =	vst v1  }
0x2f: {  	[tilespmem:$0x100D0] =	vst v1  }
0x30: {  	[tilespmem:$0x102D0] =	vst v1  }
0x31: {  	[tilespmem:$0x100E0] =	vst v1  }
0x32: {  	[tilespmem:$0x102E0] =	vst v1  }
0x33: {  	[tilespmem:$0x100F0] =	vst v1  }
0x34: {  	[tilespmem:$0x102F0] =	vst v1  }
0x35: {  	[tilespmem:$0x10100] =	vst v1  }
0x36: {  	[tilespmem:$0x10300] =	vst v1  }
0x37: {  	[tilespmem:$0x10110] =	vst v1  }
0x38: {  	[tilespmem:$0x10310] =	vst v1  }
0x39: {  	[tilespmem:$0x10120] =	vst v1  }
0x3a: {  	[tilespmem:$0x10320] =	vst v1  }
0x3b: {  	[tilespmem:$0x10130] =	vst v1  }
0x3c: {  	[tilespmem:$0x10330] =	vst v1  }
0x3d: {  	[tilespmem:$0x10140] =	vst v1  }
0x3e: {  	[tilespmem:$0x10340] =	vst v1  }
0x3f: {  	[tilespmem:$0x10150] =	vst v1  }
0x40: {  	[tilespmem:$0x10350] =	vst v1  }
0x41: {  	[tilespmem:$0x10160] =	vst v1  }
0x42: {  	[tilespmem:$0x10360] =	vst v1  }
0x43: {  	[tilespmem:$0x10170] =	vst v1  }
0x44: {  	[tilespmem:$0x10370] =	vst v1  }
0x45: {  	[tilespmem:$0x10180] =	vst v1  }
0x46: {  	[tilespmem:$0x10380] =	vst v1  }
0x47: {  	[tilespmem:$0x10190] =	vst v1  }
0x48: {  	[tilespmem:$0x10390] =	vst v1  }
0x49: {  	[tilespmem:$0x101A0] =	vst v1  }
0x4a: {  	[tilespmem:$0x103A0] =	vst v1  }
0x4b: {  	[tilespmem:$0x101B0] =	vst v1  }
0x4c: {  	[tilespmem:$0x103B0] =	vst v1  }
0x4d: {  	[tilespmem:$0x101C0] =	vst v1  }
0x4e: {  	[tilespmem:$0x103C0] =	vst v1  }
0x4f: {  	[tilespmem:$0x101D0] =	vst v1  }
0x50: {  	[tilespmem:$0x103D0] =	vst v1  }
0x51: {  	[tilespmem:$0x101E0] =	vst v1  }
0x52: {  	[tilespmem:$0x103E0] =	vst v1  }
0x53: {  	[tilespmem:$0x101F0] =	vst v1;
	s21 =	simm.s32 $0x10  }
0x54: {  	[tilespmem:$0x103F0] =	vst v1;
	s24 =	sadd.s32 $0x0, s4;
	s22 =	simm.s32 $0x100;
	s23 =	simm.s32 $0x0  }
.LBB2_2:
0x55: {  	[tilespmem:s23], [sflag:$0x1] =	stream.linear.gather [hbm4b:s24+s3], $0x80, $0x38;
	[tilespmem:$0x105A0] =	vst v63  }
0x56: {  	s24 =	smov.u32 s21;
	s23 =	smov.u32 s22;
	p1 =	sne.s32 s21, $0x7F0  }
.Ltmp2:
0x57: {  	s21 =	sadd.s32 $0x10, s21;
	(pc) =	sbr.rel @p1 .LBB2_2-.Ltmp2, $2  }
0x58: {  	_ =	sdelay $0x2  }
0x59: {  	s22 =	sadd.s32 $0x100, s22;
	s24 =	sadd.s32 s24, s4  }
0x5a: {  	[tilespmem:s23], [sflag:$0x1] =	stream.linear.gather [hbm4b:s24+s3], $0x80, $0x38;
	[tilespmem:$0x105A0] =	vst v63  }
0x5b: {  	s21 =	simm.s32 $0x8000  }
0x5c: {  	s22 =	simm.s32 $0x10;
	s24 =	sadd.s32 $0x0, s5;
	s23 =	simm.s32 $0x8100  }
.LBB2_4:
0x5d: {  	[tilespmem:s21], [sflag:$0x1] =	stream.linear.gather [hbm4b:s24+s3], $0x80, $0x38;
	[tilespmem:$0x105A0] =	vst v63  }
0x5e: {  	s24 =	smov.u32 s22;
	s21 =	smov.u32 s23;
	p1 =	sne.s32 s22, $0x7F0  }
.Ltmp3:
0x5f: {  	s22 =	sadd.s32 $0x10, s22;
	(pc) =	sbr.rel @p1 .LBB2_4-.Ltmp3, $2  }
0x60: {  	_ =	sdelay $0x2  }
0x61: {  	s23 =	sadd.s32 $0x100, s23;
	s24 =	sadd.s32 s24, s5  }
0x62: {  	[tilespmem:s21], [sflag:$0x1] =	stream.linear.gather [hbm4b:s24+s3], $0x80, $0x38;
	[tilespmem:$0x105A0] =	vst v63  }
0x63: {  	s21 =	simm.s32 $0x80  }
0x64: {  	s22 =	simm.s32 $0x10;
	s24 =	sadd.s32 $0x0, s6;
	s23 =	simm.s32 $0x180  }
.LBB2_6:
0x65: {  	[tilespmem:s21], [sflag:$0x2] =	stream.linear.gather [hbm4b:s24+s3], $0x80, $0x38;
	[tilespmem:$0x105A0] =	vst v63  }
0x66: {  	s24 =	smov.u32 s22;
	s21 =	smov.u32 s23;
	p1 =	sne.s32 s22, $0x7F0  }
.Ltmp4:
0x67: {  	s22 =	sadd.s32 $0x10, s22;
	(pc) =	sbr.rel @p1 .LBB2_6-.Ltmp4, $2  }
0x68: {  	_ =	sdelay $0x2  }
0x69: {  	s23 =	sadd.s32 $0x100, s23;
	s24 =	sadd.s32 s24, s6  }
0x6a: {  	[tilespmem:s21], [sflag:$0x2] =	stream.linear.gather [hbm4b:s24+s3], $0x80, $0x38;
	[tilespmem:$0x105A0] =	vst v63  }
0x6b: {  	s21 =	simm.s32 $0x8080  }
0x6c: {  	s22 =	simm.s32 $0x10;
	s24 =	sadd.s32 $0x0, s7;
	s23 =	simm.s32 $0x8180  }
.LBB2_8:
0x6d: {  	[tilespmem:s21], [sflag:$0x2] =	stream.linear.gather [hbm4b:s24+s3], $0x80, $0x38;
	[tilespmem:$0x105A0] =	vst v63  }
0x6e: {  	s24 =	smov.u32 s22;
	s21 =	smov.u32 s23;
	p1 =	sne.s32 s22, $0x7F0  }
.Ltmp5:
0x6f: {  	s22 =	sadd.s32 $0x10, s22;
	(pc) =	sbr.rel @p1 .LBB2_8-.Ltmp5, $2  }
0x70: {  	_ =	sdelay $0x2  }
0x71: {  	s23 =	sadd.s32 $0x100, s23;
	s24 =	sadd.s32 s24, s7  }
0x72: {  	[tilespmem:s21], [sflag:$0x2] =	stream.linear.gather [hbm4b:s24+s3], $0x80, $0x38;
	[tilespmem:$0x105A0] =	vst v63  }
0x73: {  	_ =	swait.ge [sflag:s12], $0x4000  }
0x74: {  	[sflag:s12] =	ssyncset.done $0x0  }
0x75: {  	[sflag:s12] =	ssyncadd.s32 $0xFFFFC000  }
0x76: {  	_ =	swait.ge [sflag:s12], $0x4000  }
0x77: {  	[sflag:s12] =	ssyncset.done $0x0  }
0x78: {  	s21 =	simm.s32 $0x0;
	[sflag:s12] =	ssyncadd.s32 $0xFFFFC000  }
.LBB2_10:
0x79: {  	s22 =	sshra.s32 s21, $0x2  }
0x7a: {  	v4 =	vld [tilespmem:s22+$0x8000];
	_ =	sdelay $0x4  }
0x7b: {  	v5 =	vld [tilespmem:s22+$0x0];
	v4 =	vadd.s32 v0, v4;
	_ =	sdelay $0x4  }
0x7c: {  	[tilespmem:v4+s13+$0x0] =	vst.idx.add.f32.msk $0xffff, v5  }
0x7d: {  	[tilespmem:v4+s14+$0x0] =	vst.idx.add.f32.msk $0xffff, v2  }
0x7e: {  	v4 =	vld [tilespmem:s22+$0x8010];
	_ =	sdelay $0x4  }
0x7f: {  	v5 =	vld [tilespmem:s22+$0x10];
	v4 =	vadd.s32 v3, v4;
	_ =	sdelay $0x4  }
0x80: {  	[tilespmem:v4+s13+$0x0] =	vst.idx.add.f32.msk $0xffff, v5  }
0x81: {  	[tilespmem:v4+s14+$0x0] =	vst.idx.add.f32.msk $0xffff, v2  }
0x82: {  	v4 =	vld [tilespmem:s22+$0x8020];
	_ =	sdelay $0x4  }
0x83: {  	v5 =	vld [tilespmem:s22+$0x20];
	v4 =	vadd.s32 v0, v4;
	_ =	sdelay $0x4  }
0x84: {  	[tilespmem:v4+s13+$0x0] =	vst.idx.add.f32.msk $0xffff, v5  }
0x85: {  	[tilespmem:v4+s14+$0x0] =	vst.idx.add.f32.msk $0xffff, v2  }
0x86: {  	v4 =	vld [tilespmem:s22+$0x8030];
	_ =	sdelay $0x4  }
0x87: {  	v5 =	vld [tilespmem:s22+$0x30];
	v4 =	vadd.s32 v3, v4;
	_ =	sdelay $0x4  }
0x88: {  	[tilespmem:v4+s13+$0x0] =	vst.idx.add.f32.msk $0xffff, v5  }
0x89: {  	[tilespmem:v4+s14+$0x0] =	vst.idx.add.f32.msk $0xffff, v2  }
0x8a: {  	v4 =	vld [tilespmem:s22+$0x8040];
	_ =	sdelay $0x4  }
0x8b: {  	v5 =	vld [tilespmem:s22+$0x40];
	v4 =	vadd.s32 v0, v4;
	_ =	sdelay $0x4  }
0x8c: {  	[tilespmem:v4+s13+$0x0] =	vst.idx.add.f32.msk $0xffff, v5  }
0x8d: {  	[tilespmem:v4+s14+$0x0] =	vst.idx.add.f32.msk $0xffff, v2  }
0x8e: {  	v4 =	vld [tilespmem:s22+$0x8050];
	_ =	sdelay $0x4  }
0x8f: {  	v5 =	vld [tilespmem:s22+$0x50];
	v4 =	vadd.s32 v3, v4;
	_ =	sdelay $0x4  }
0x90: {  	[tilespmem:v4+s13+$0x0] =	vst.idx.add.f32.msk $0xffff, v5  }
0x91: {  	[tilespmem:v4+s14+$0x0] =	vst.idx.add.f32.msk $0xffff, v2  }
0x92: {  	v4 =	vld [tilespmem:s22+$0x8060];
	_ =	sdelay $0x4  }
0x93: {  	v5 =	vld [tilespmem:s22+$0x60];
	v4 =	vadd.s32 v0, v4;
	_ =	sdelay $0x4  }
0x94: {  	[tilespmem:v4+s13+$0x0] =	vst.idx.add.f32.msk $0xffff, v5  }
0x95: {  	[tilespmem:v4+s14+$0x0] =	vst.idx.add.f32.msk $0xffff, v2  }
0x96: {  	v4 =	vld [tilespmem:s22+$0x8070];
	_ =	sdelay $0x4  }
0x97: {  	v5 =	vld [tilespmem:s22+$0x70];
	v4 =	vadd.s32 v3, v4  }
0x98: {  	p1 =	sne.s32 s21, $0x1FC00  }
.Ltmp6:
0x99: {  	_ = 	snop;
	(pc) =	sbr.rel @p1 .LBB2_10-.Ltmp6, $3  }
0x9a: {  	_ =	sdelay $0x1  }
0x9b: {  	[tilespmem:v4+s13+$0x0] =	vst.idx.add.f32.msk $0xffff, v5  }
0x9c: {  	s21 =	sadd.s32 $0x400, s21;
	[tilespmem:v4+s14+$0x0] =	vst.idx.add.f32.msk $0xffff, v2  }
0x9d: {  	_ =	swait.ge [sflag:s15], $0x4000  }
0x9e: {  	[sflag:s15] =	ssyncset.done $0x0  }
0x9f: {  	[sflag:s15] =	ssyncadd.s32 $0xFFFFC000  }
0xa0: {  	_ =	swait.ge [sflag:s15], $0x4000  }
0xa1: {  	[sflag:s15] =	ssyncset.done $0x0  }
0xa2: {  	s21 =	simm.s32 $0x0;
	[sflag:s15] =	ssyncadd.s32 $0xFFFFC000  }
.LBB2_12:
0xa3: {  	s22 =	sshra.s32 s21, $0x2  }
0xa4: {  	v4 =	vld [tilespmem:s22+$0x8080];
	_ =	sdelay $0x4  }
0xa5: {  	v5 =	vld [tilespmem:s22+$0x80];
	v4 =	vadd.s32 v0, v4;
	_ =	sdelay $0x4  }
0xa6: {  	[tilespmem:v4+s13+$0x0] =	vst.idx.add.f32.msk $0xffff, v5  }
0xa7: {  	[tilespmem:v4+s14+$0x0] =	vst.idx.add.f32.msk $0xffff, v2  }
0xa8: {  	v4 =	vld [tilespmem:s22+$0x8090];
	_ =	sdelay $0x4  }
0xa9: {  	v5 =	vld [tilespmem:s22+$0x90];
	v4 =	vadd.s32 v3, v4;
	_ =	sdelay $0x4  }
0xaa: {  	[tilespmem:v4+s13+$0x0] =	vst.idx.add.f32.msk $0xffff, v5  }
0xab: {  	[tilespmem:v4+s14+$0x0] =	vst.idx.add.f32.msk $0xffff, v2  }
0xac: {  	v4 =	vld [tilespmem:s22+$0x80A0];
	_ =	sdelay $0x4  }
0xad: {  	v5 =	vld [tilespmem:s22+$0xA0];
	v4 =	vadd.s32 v0, v4;
	_ =	sdelay $0x4  }
0xae: {  	[tilespmem:v4+s13+$0x0] =	vst.idx.add.f32.msk $0xffff, v5  }
0xaf: {  	[tilespmem:v4+s14+$0x0] =	vst.idx.add.f32.msk $0xffff, v2  }
0xb0: {  	v4 =	vld [tilespmem:s22+$0x80B0];
	_ =	sdelay $0x4  }
0xb1: {  	v5 =	vld [tilespmem:s22+$0xB0];
	v4 =	vadd.s32 v3, v4;
	_ =	sdelay $0x4  }
0xb2: {  	[tilespmem:v4+s13+$0x0] =	vst.idx.add.f32.msk $0xffff, v5  }
0xb3: {  	[tilespmem:v4+s14+$0x0] =	vst.idx.add.f32.msk $0xffff, v2  }
0xb4: {  	v4 =	vld [tilespmem:s22+$0x80C0];
	_ =	sdelay $0x4  }
0xb5: {  	v5 =	vld [tilespmem:s22+$0xC0];
	v4 =	vadd.s32 v0, v4;
	_ =	sdelay $0x4  }
0xb6: {  	[tilespmem:v4+s13+$0x0] =	vst.idx.add.f32.msk $0xffff, v5  }
0xb7: {  	[tilespmem:v4+s14+$0x0] =	vst.idx.add.f32.msk $0xffff, v2  }
0xb8: {  	v4 =	vld [tilespmem:s22+$0x80D0];
	_ =	sdelay $0x4  }
0xb9: {  	v5 =	vld [tilespmem:s22+$0xD0];
	v4 =	vadd.s32 v3, v4;
	_ =	sdelay $0x4  }
0xba: {  	[tilespmem:v4+s13+$0x0] =	vst.idx.add.f32.msk $0xffff, v5  }
0xbb: {  	[tilespmem:v4+s14+$0x0] =	vst.idx.add.f32.msk $0xffff, v2  }
0xbc: {  	v4 =	vld [tilespmem:s22+$0x80E0];
	_ =	sdelay $0x4  }
0xbd: {  	v5 =	vld [tilespmem:s22+$0xE0];
	v4 =	vadd.s32 v0, v4;
	_ =	sdelay $0x4  }
0xbe: {  	[tilespmem:v4+s13+$0x0] =	vst.idx.add.f32.msk $0xffff, v5  }
0xbf: {  	[tilespmem:v4+s14+$0x0] =	vst.idx.add.f32.msk $0xffff, v2  }
0xc0: {  	v4 =	vld [tilespmem:s22+$0x80F0];
	_ =	sdelay $0x4  }
0xc1: {  	v5 =	vld [tilespmem:s22+$0xF0];
	v4 =	vadd.s32 v3, v4  }
0xc2: {  	p1 =	sne.s32 s21, $0x1FC00  }
.Ltmp7:
0xc3: {  	_ = 	snop;
	(pc) =	sbr.rel @p1 .LBB2_12-.Ltmp7, $3  }
0xc4: {  	_ =	sdelay $0x1  }
0xc5: {  	[tilespmem:v4+s13+$0x0] =	vst.idx.add.f32.msk $0xffff, v5  }
0xc6: {  	s21 =	sadd.s32 $0x400, s21;
	[tilespmem:v4+s14+$0x0] =	vst.idx.add.f32.msk $0xffff, v2  }
0xc7: {  	v4 =	vld [tilespmem:$0x10000]  }
0xc8: {  	v5 =	vld [tilespmem:$0x10200]  }
0xc9: {  	v6 =	vld [tilespmem:$0x10010]  }
0xca: {  	v7 =	vld [tilespmem:$0x10210]  }
0xcb: {  	v8 =	vld [tilespmem:$0x10020]  }
0xcc: {  	v9 =	vld [tilespmem:$0x10220]  }
0xcd: {  	v10 =	vld [tilespmem:$0x10030]  }
0xce: {  	v59 =	vld [tilespmem:$0x10230];
	v4 =	vadd.f32 v6, v4  }
0xcf: {  	v60 =	vld [tilespmem:$0x10040];
	v5 =	vadd.f32 v7, v5  }
0xd0: {  	v61 =	vld [tilespmem:$0x10240];
	v4 =	vadd.f32 v8, v4  }
0xd1: {  	v62 =	vld [tilespmem:$0x10050];
	v5 =	vadd.f32 v9, v5  }
0xd2: {  	v63 =	vld [tilespmem:$0x10250];
	v4 =	vadd.f32 v10, v4  }
0xd3: {  	v12 =	vld [tilespmem:$0x10060];
	v5 =	vadd.f32 v59, v5  }
0xd4: {  	v13 =	vld [tilespmem:$0x10260];
	v4 =	vadd.f32 v60, v4  }
0xd5: {  	v14 =	vld [tilespmem:$0x10070];
	v5 =	vadd.f32 v61, v5  }
0xd6: {  	v15 =	vld [tilespmem:$0x10270];
	v4 =	vadd.f32 v62, v4  }
0xd7: {  	v16 =	vld [tilespmem:$0x10080];
	v5 =	vadd.f32 v63, v5  }
0xd8: {  	v17 =	vld [tilespmem:$0x10280];
	v4 =	vadd.f32 v12, v4  }
0xd9: {  	v18 =	vld [tilespmem:$0x10090];
	v5 =	vadd.f32 v13, v5  }
0xda: {  	v19 =	vld [tilespmem:$0x10290];
	v4 =	vadd.f32 v14, v4  }
0xdb: {  	v20 =	vld [tilespmem:$0x100A0];
	v5 =	vadd.f32 v15, v5  }
0xdc: {  	v21 =	vld [tilespmem:$0x102A0];
	v4 =	vadd.f32 v16, v4  }
0xdd: {  	v22 =	vld [tilespmem:$0x100B0];
	v5 =	vadd.f32 v17, v5  }
0xde: {  	v23 =	vld [tilespmem:$0x102B0];
	v4 =	vadd.f32 v18, v4  }
0xdf: {  	v24 =	vld [tilespmem:$0x100C0];
	v5 =	vadd.f32 v19, v5  }
0xe0: {  	v25 =	vld [tilespmem:$0x102C0];
	v4 =	vadd.f32 v20, v4  }
0xe1: {  	v26 =	vld [tilespmem:$0x100D0];
	v5 =	vadd.f32 v21, v5  }
0xe2: {  	v27 =	vld [tilespmem:$0x102D0];
	v4 =	vadd.f32 v22, v4  }
0xe3: {  	v28 =	vld [tilespmem:$0x100E0];
	v5 =	vadd.f32 v23, v5  }
0xe4: {  	v29 =	vld [tilespmem:$0x102E0];
	v4 =	vadd.f32 v24, v4  }
0xe5: {  	v30 =	vld [tilespmem:$0x100F0];
	v5 =	vadd.f32 v25, v5  }
0xe6: {  	v31 =	vld [tilespmem:$0x102F0];
	v4 =	vadd.f32 v26, v4  }
0xe7: {  	v32 =	vld [tilespmem:$0x10100];
	v5 =	vadd.f32 v27, v5  }
0xe8: {  	v33 =	vld [tilespmem:$0x10300];
	v4 =	vadd.f32 v28, v4  }
0xe9: {  	v34 =	vld [tilespmem:$0x10110];
	v5 =	vadd.f32 v29, v5  }
0xea: {  	v35 =	vld [tilespmem:$0x10310];
	v4 =	vadd.f32 v30, v4  }
0xeb: {  	v36 =	vld [tilespmem:$0x10120];
	v5 =	vadd.f32 v31, v5  }
0xec: {  	v37 =	vld [tilespmem:$0x10320];
	v4 =	vadd.f32 v32, v4  }
0xed: {  	v38 =	vld [tilespmem:$0x10130];
	v5 =	vadd.f32 v33, v5  }
0xee: {  	v39 =	vld [tilespmem:$0x10330];
	v4 =	vadd.f32 v34, v4  }
0xef: {  	v40 =	vld [tilespmem:$0x10140];
	v5 =	vadd.f32 v35, v5  }
0xf0: {  	v41 =	vld [tilespmem:$0x10340];
	v4 =	vadd.f32 v36, v4  }
0xf1: {  	v42 =	vld [tilespmem:$0x10150];
	v5 =	vadd.f32 v37, v5  }
0xf2: {  	v43 =	vld [tilespmem:$0x10350];
	v4 =	vadd.f32 v38, v4  }
0xf3: {  	v44 =	vld [tilespmem:$0x10160];
	v5 =	vadd.f32 v39, v5  }
0xf4: {  	v45 =	vld [tilespmem:$0x10360];
	v4 =	vadd.f32 v40, v4  }
0xf5: {  	v46 =	vld [tilespmem:$0x10170];
	v5 =	vadd.f32 v41, v5  }
0xf6: {  	v47 =	vld [tilespmem:$0x10370];
	v4 =	vadd.f32 v42, v4  }
0xf7: {  	v48 =	vld [tilespmem:$0x10180];
	v5 =	vadd.f32 v43, v5  }
0xf8: {  	v49 =	vld [tilespmem:$0x10380];
	v4 =	vadd.f32 v44, v4  }
0xf9: {  	v50 =	vld [tilespmem:$0x10190];
	v5 =	vadd.f32 v45, v5  }
0xfa: {  	v51 =	vld [tilespmem:$0x10390];
	v4 =	vadd.f32 v46, v4  }
0xfb: {  	v52 =	vld [tilespmem:$0x101A0];
	v5 =	vadd.f32 v47, v5  }
0xfc: {  	v53 =	vld [tilespmem:$0x103A0];
	v4 =	vadd.f32 v48, v4  }
0xfd: {  	v54 =	vld [tilespmem:$0x101B0];
	v5 =	vadd.f32 v49, v5  }
0xfe: {  	v55 =	vld [tilespmem:$0x103B0];
	v4 =	vadd.f32 v50, v4  }
0xff: {  	v56 =	vld [tilespmem:$0x101C0];
	v5 =	vadd.f32 v51, v5  }
0x100: {  	v57 =	vld [tilespmem:$0x103C0];
	v4 =	vadd.f32 v52, v4  }
0x101: {  	v58 =	vld [tilespmem:$0x101D0];
	v5 =	vadd.f32 v53, v5  }
0x102: {  	v59 =	vld [tilespmem:$0x103D0];
	v4 =	vadd.f32 v54, v4  }
0x103: {  	v60 =	vld [tilespmem:$0x101E0];
	v5 =	vadd.f32 v55, v5  }
0x104: {  	v61 =	vld [tilespmem:$0x103E0];
	v4 =	vadd.f32 v56, v4  }
0x105: {  	v62 =	vld [tilespmem:$0x101F0];
	v5 =	vadd.f32 v57, v5  }
0x106: {  	v63 =	vld [tilespmem:$0x103F0];
	v4 =	vadd.f32 v58, v4  }
0x107: {  	v5 =	vadd.f32 v59, v5  }
0x108: {  	v4 =	vadd.f32 v60, v4  }
0x109: {  	v5 =	vadd.f32 v61, v5  }
0x10a: {  	v4 =	vadd.f32 v62, v4  }
0x10b: {  	v5 =	vadd.f32 v63, v5  }
0x10c: {  	[tilespmem:$0x10400] =	vst v4  }
0x10d: {  	[tilespmem:$0x10480] =	vst v5  }
0x10e: {  	[spmem:s8] =	stream.linear.scatter [tilespmem:s16], [sflag:$0x3], $0x10, $0x38;
	[tilespmem:$0x105A0] =	vst v63  }
0x10f: {  	_ =	swait.ge [sflag:s17], $0x10  }
0x110: {  	[sflag:s17] =	ssyncset.done $0x0  }
0x111: {  	[sflag:s17] =	ssyncadd.s32 $0xFFFFFFF0  }
0x112: {  	[spmem:s9] =	stream.linear.scatter [tilespmem:s18], [sflag:$0x3], $0x10, $0x38;
	[tilespmem:$0x105A0] =	vst v63  }
.Ltmp8:
0x113: {  	_ =	swait.ge [sflag:s17], $0x10;
	(pc) =	sbr.rel @p0 .LBB2_15-.Ltmp8, $3  }
0x114: {  	[sflag:s17] =	ssyncset.done $0x0  }
0x115: {  	[sflag:s17] =	ssyncadd.s32 $0xFFFFFFF0  }
0x116: {  	[bflag:$0x0] =	sbarrier.arrive $0xFFFF;
	_ =	sdelay $0x1  }
0x117: {  	[tilespmem:s13], [sflag:$0x3] =	stream.linear.gather [spmem:s1], $0x100, $0x38;
	[tilespmem:$0x105A0] =	vst v63  }
0x118: {  	_ =	swait.ge [sflag:s17], $0x100  }
0x119: {  	[sflag:s17] =	ssyncset.done $0x0  }
0x11a: {  	[sflag:s17] =	ssyncadd.s32 $0xFFFFFF00  }
0x11b: {  	[tilespmem:s14], [sflag:$0x3] =	stream.linear.gather [spmem:s2], $0x100, $0x38;
	[tilespmem:$0x105A0] =	vst v63  }
0x11c: {  	_ =	swait.ge [sflag:s17], $0x100  }
0x11d: {  	[sflag:s17] =	ssyncset.done $0x0  }
0x11e: {  	[sflag:s17] =	ssyncadd.s32 $0xFFFFFF00  }
0x11f: {  	v4 =	vld [tilespmem:$0x10000]  }
0x120: {  	v5 =	vld [tilespmem:$0x10200]  }
0x121: {  	v6 =	vld [tilespmem:$0x10010]  }
0x122: {  	v7 =	vld [tilespmem:$0x10210]  }
0x123: {  	v8 =	vld [tilespmem:$0x10020]  }
0x124: {  	v9 =	vld [tilespmem:$0x10220]  }
0x125: {  	v10 =	vld [tilespmem:$0x10280]  }
0x126: {  	v11 =	vld [tilespmem:$0x10290]  }
0x127: {  	v12 =	vld [tilespmem:$0x10230]  }
0x128: {  	v13 =	vld [tilespmem:$0x102A0]  }
0x129: {  	v39 =	vld [tilespmem:$0x10240];
	v5 =	vadd.f32 v7, v5  }
0x12a: {  	v14 =	vld [tilespmem:$0x102B0]  }
0x12b: {  	v40 =	vld [tilespmem:$0x10250];
	v10 =	vadd.f32 v11, v10;
	v5 =	vadd.f32 v9, v5  }
0x12c: {  	v41 =	vld [tilespmem:$0x102C0]  }
0x12d: {  	v42 =	vld [tilespmem:$0x10260];
	v10 =	vadd.f32 v13, v10;
	v5 =	vadd.f32 v12, v5  }
0x12e: {  	v43 =	vld [tilespmem:$0x102D0]  }
0x12f: {  	v44 =	vld [tilespmem:$0x10270];
	v10 =	vadd.f32 v14, v10;
	v5 =	vadd.f32 v39, v5  }
0x130: {  	v45 =	vld [tilespmem:$0x102E0]  }
0x131: {  	v46 =	vld [tilespmem:$0x10080];
	v10 =	vadd.f32 v41, v10;
	v5 =	vadd.f32 v40, v5  }
0x132: {  	v47 =	vld [tilespmem:$0x102F0]  }
0x133: {  	v48 =	vld [tilespmem:$0x10090];
	v10 =	vadd.f32 v43, v10;
	v5 =	vadd.f32 v42, v5  }
0x134: {  	v49 =	vld [tilespmem:$0x10030];
	v4 =	vadd.f32 v6, v4  }
0x135: {  	v50 =	vld [tilespmem:$0x100A0];
	v10 =	vadd.f32 v45, v10;
	v5 =	vadd.f32 v44, v5  }
0x136: {  	v51 =	vld [tilespmem:$0x10040]  }
0x137: {  	v53 =	vld [tilespmem:$0x100B0];
	v4 =	vadd.f32 v8, v4;
	v10 =	vadd.f32 v47, v10;
	v52 =	vmax.f32 v5, $1.000000000e+00  }
0x138: {  	v54 =	vld [tilespmem:$0x10050];
	v9 =	vadd.f32 v48, v46;
	v8 =	vmul.f32 $1.400000000e+01, v52  }
0x139: {  	v55 =	vld [tilespmem:$0x100C0];
	v4 =	vadd.f32 v49, v4;
	v56 =	vmax.f32 v10, $1.000000000e+00  }
0x13a: {  	v57 =	vld [tilespmem:$0x10060];
	v7 =	vadd.f32 v50, v9;
	v58 =	vmul.f32 $1.400000000e+01, v56;
	(erf) = vrcp.f32 v8  }
0x13b: {  	v59 =	vld [tilespmem:$0x100D0]  }
0x13c: {  	v60 =	vld [tilespmem:$0x10070];
	v4 =	vadd.f32 v51, v4;
	v7 =	vadd.f32 v53, v7;
	(erf) = vrcp.f32 v58  }
0x13d: {  	v61 =	vld [tilespmem:$0x100E0]  }
0x13e: {  	v4 =	vadd.f32 v54, v4;
	v6 =	vadd.f32 v55, v7  }
0x13f: {  	v62 =	vld [tilespmem:$0x100F0]  }
0x140: {  	v4 =	vadd.f32 v57, v4;
	v6 =	vadd.f32 v59, v6;
	_ =	sdelay $0x1  }
0x141: {  	v4 =	vadd.f32 v60, v4;
	v6 =	vadd.f32 v61, v6  }
0x142: {  	v63 =	vpop (erf)  }
0x143: {  	v6 =	vadd.f32 v62, v6;
	v4 =	vmul.f32 v63, v4  }
0x144: {  	vm1 =	vgt.f32 v5, $0.0e+00;
	v5 =	vpop (erf)  }
0x145: {  	v5 =	vmul.f32 v5, v6;
	v4 =	vnsel vm1, $0x0, v4  }
0x146: {  	vm1 =	vgt.f32 v10, $0.0e+00;
	v4 =	vsel vm0, $0x0, v4  }
0x147: {  	(xrf2) =	vadd.scan.msk.f32 $0xffff, v4;
	v4 =	vnsel vm1, $0x0, v5  }
0x148: {  	v4 =	vsel vm0, $0x0, v4  }
0x149: {  	(xrf2) =	vadd.scan.msk.f32 $0xffff, v4;
	_ =	sdelay $0x7  }
0x14a: {  	v4, _, _ =	vpop (xrf2)  }
0x14b: {  	(v2sf) =	vpush v4, $0xF  }
0x14c: {  	v4, _, _ =	vpop (xrf2)  }
0x14d: {  	(v2sf) =	vpush v4, $0xF;
	_ =	sdelay $0xc  }
0x14e: {  	s21 =	spop (v2sf)  }
0x14f: {  	s21 =	sadd.f32 $0.0e+00, s21  }
0x150: {  	s22 =	spop (v2sf)  }
0x151: {  	s21 =	sadd.f32 s22, s21;
	_ =	sdelay $0x1  }
0x152: {  	v4 =	vmov s21  }
.Ltmp9:
0x153: {  	[tilespmem:$0x10500] =	vst v4;
	(pc) =	sbr.rel .LBB2_15-.Ltmp9, $4  }
0x154: {  	[hbm4b:s10+s3] =	stream.linear.scatter [tilespmem:s19], [sflag:$0x3], $0x10, $0x38;
	[tilespmem:$0x105A0] =	vst v63  }
0x155: {  	_ =	swait.ge [sflag:s17], $0x10  }
0x156: {  	[sflag:s17] =	ssyncset.done $0x0  }
0x157: {  	[sflag:s17] =	ssyncadd.s32 $0xFFFFFFF0  }
.LBB2_16:
0x158: {  	_ =	sfence.sel $0x180000  }
0x159: {  	[bflag:$0x0] =	sbarrier.arrive $0xFFFF  }
0x15a: {  	_ =	strace $0x90000047  }
0x15b: {  	s0 =	sadd.s32 @!p0 $0x100000, s0;
	[bflag:$0x2] =	sbarrier.arrive $0xFFFF  }
0x15c: {  	[sflag:s0] =	ssyncadd.tile.s32 @!p0 $0x1;
	_ =	shalt  }
.Lfunc_end2:
_tile_overlayer_lowered:
.L_overlay_start_2:
0x15d: {  	(tag) =	ssettag $0x2  }
0x15e: {  	s0 =	rddreg [dreg:$0x0];
	s2 =	stileid.u32  }
0x15f: {  	s1 =	rddreg [dreg:$0x1];
	p0 =	sne.s32 s2, $0x0  }
0x160: {  	s3 =	rddreg [dreg:$0x2];
	[bflag:$0x3] =	sbarrier.arrive $0xFFFF;
	s2 =	simm.s32 @!p0 $0x1C03  }
0x161: {  	[timem:s3], [sflag:s2] =	dma.local @!p0 [hbm:s0], s1  }
0x162: {  	s0 =	simm.s32 @!p0 $0x3  }
0x163: {  	_ =	swait.ge @!p0 [sflag:s0], s1  }
0x164: {  	s1 =	ssub.s32 @!p0 $0x0, s1;
	[sflag:s0] =	ssyncset.done @!p0 $0x0  }
0x165: {  	[sflag:s0] =	ssyncadd.s32 @!p0 s1  }
0x166: {  	[bflag:$0x3] =	sbarrier.arrive $0xFFFF  }
0x167: {  	_ =	shalt  }

</sc_bundles>
